<compile_context>
chip_gen: v7x
topology: tpu7x:2x2x1
jax: 0.10.2.dev20260603
libtpu: 0.0.44.dev20260713+nightly
codegen_flags: <defaults>
</compile_context>

<pallas_src>
import functools

import jax
import jax.numpy as jnp
from jax import lax
from jax.experimental import pallas as pl
from jax.experimental.pallas import tpu as pltpu
from jax.experimental.pallas import tpu_sc as plsc

B = 4096
SEQ = 200
DIM = 64

NC = 2
NS = 16
NW = NC * NS
B_PER_W = B // NW
CH0 = 104
CH1 = 96
RING = 8


def _sc_pool_call(x2, table):
    mesh = plsc.VectorSubcoreMesh(
        core_axis_name="c", subcore_axis_name="s", num_cores=NC,
        num_subcores=NS)

    @functools.partial(
        pl.kernel,
        out_type=jax.ShapeDtypeStruct((B, DIM), jnp.float32),
        mesh=mesh,
        compiler_params=pltpu.CompilerParams(use_tc_tiling_on_sc=False),
        scratch_types=[
            pltpu.VMEM((B_PER_W, SEQ), jnp.int32),
            *[pltpu.VMEM(((CH0, CH1)[b % 2], DIM), jnp.float32)
              for b in range(RING)],
            pltpu.VMEM((B_PER_W, DIM), jnp.float32),
            *[pltpu.SemaphoreType.DMA for _ in range(RING)],
        ],
    )
    def sc_pool(x_hbm, table_hbm, out_hbm, idx_v, r0, r1, r2, r3,
                r4, r5, r6, r7, pool_v, s0, s1, s2, s3, s4, s5, s6, s7):
        rows = (r0, r1, r2, r3, r4, r5, r6, r7)
        sems = (s0, s1, s2, s3, s4, s5, s6, s7)
        chlen = (CH0, CH1)
        choff = (0, CH0)
        wid = lax.axis_index("s") * NC + lax.axis_index("c")
        base = wid * B_PER_W
        pltpu.sync_copy(x_hbm.at[pl.ds(base, B_PER_W)], idx_v)

        for b in range(RING):
            pltpu.async_copy(
                table_hbm.at[idx_v.at[b // 2, pl.ds(choff[b % 2],
                                                    chlen[b % 2])]],
                rows[b], sems[b])

        scale = jnp.float32(1.0 / SEQ)
        zero = jnp.zeros((16,), jnp.float32)
        samples_per_group = RING // 2

        def outer(t, _):
            for k in range(samples_per_group):
                s = samples_per_group * t + k
                accs = (zero, zero, zero, zero)
                for hb in range(2):
                    b = 2 * k + hb
                    pltpu.make_async_copy(
                        table_hbm.at[pl.ds(0, chlen[hb])],
                        rows[b], sems[b]).wait()

                    rbuf = rows[b]

                    def acc_body(r, a, rbuf=rbuf):
                        return (
                            a[0] + rbuf[r, pl.ds(0, 16)],
                            a[1] + rbuf[r, pl.ds(16, 16)],
                            a[2] + rbuf[r, pl.ds(32, 16)],
                            a[3] + rbuf[r, pl.ds(48, 16)],
                        )

                    accs = plsc.parallel_loop(
                        0, chlen[hb], 1, unroll=8, carry=accs)(acc_body)

                    s_next = s + samples_per_group

                    @pl.when(s_next < B_PER_W)
                    def _(b=b, hb=hb, s_next=s_next):
                        pltpu.async_copy(
                            table_hbm.at[idx_v.at[s_next,
                                                  pl.ds(choff[hb],
                                                        chlen[hb])]],
                            rows[b], sems[b])

                pool_v[s, pl.ds(0, 16)] = accs[0] * scale
                pool_v[s, pl.ds(16, 16)] = accs[1] * scale
                pool_v[s, pl.ds(32, 16)] = accs[2] * scale
                pool_v[s, pl.ds(48, 16)] = accs[3] * scale
            return 0

        lax.fori_loop(0, B_PER_W // samples_per_group, outer, 0)
        pltpu.sync_copy(pool_v, out_hbm.at[pl.ds(base, B_PER_W)])

    return sc_pool(x2, table)


def _mlp_body(m_ref, w1_ref, b1_ref, w2_ref, b2_ref, o_ref):
    h = jnp.dot(m_ref[...], w1_ref[...],
                preferred_element_type=jnp.float32) + b1_ref[...]
    h = jax.nn.sigmoid(jnp.maximum(h, 0.0))
    o = jnp.dot(h, w2_ref[...],
                preferred_element_type=jnp.float32) + b2_ref[...]
    o_ref[...] = jax.nn.sigmoid(o)


def _mlp_call(pooled, W1, b1, W2, b2):
    return pl.pallas_call(
        _mlp_body,
        out_shape=jax.ShapeDtypeStruct((B, 1), jnp.float32),
    )(pooled, W1, b1.reshape(1, 16), W2, b2.reshape(1, 1))


def kernel(x, table, W1, b1, W2, b2):
    pooled = _sc_pool_call(x.astype(jnp.int32), table)
    return _mlp_call(pooled, W1, b1, W2, b2)

# --- scband reference (transcript-rebuilt; emitter-appended) ---
"""Pipeline reference for scband-reviewer-19808389169373 (READ-ONLY COPY).

The authoritative reference and input builder live on the scoring server;
editing this copy changes nothing except your own understanding.
"""

import jax, jax.numpy as jnp
import numpy as np

VOCAB = 367809
DIM = 64
B = 4096
L = 200

def setup_inputs(seed: int = 0) -> dict:
    key = jax.random.key(seed)
    ks = jax.random.split(key, 6)
    x = jax.random.randint(ks[0], (B, L), 0, VOCAB)
    table = jax.random.normal(ks[1], (VOCAB, DIM), dtype=jnp.float32)
    W1 = jax.random.normal(ks[2], (DIM, 16), dtype=jnp.float32) * (1.0 / np.sqrt(DIM))
    b1 = jnp.zeros((16,), dtype=jnp.float32)
    W2 = jax.random.normal(ks[3], (16, 1), dtype=jnp.float32) * (1.0 / np.sqrt(16))
    b2 = jnp.zeros((1,), dtype=jnp.float32)
    return {"x": x, "table": table, "W1": W1, "b1": b1, "W2": W2, "b2": b2}

def reference(x, table, W1, b1, W2, b2):
    embed = jnp.take(table, x, axis=0)            # [B, L, DIM] gather
    mean = jnp.mean(embed, axis=1)                # [B, DIM]
    h = mean @ W1 + b1                            # lin
    h = jax.nn.relu(h)                            # relu
    h = jax.nn.sigmoid(h)                         # sigmoid
    o = h @ W2 + b2                               # lin2
    return jax.nn.sigmoid(o)                      # final sigmoid, [B, 1]

if __name__ == "__main__":
    import jax
    _d = setup_inputs()
    print(jax.jit(kernel)(*tuple(_d.values())))

</pallas_src>

<mosaic_0001>
#map = affine_map<(d0, d1) -> (0, 0)>
module attributes {stable_mosaic.version = 14 : i64} {
  func.func @sc_pool(%arg0: i32, %arg1: i32, %arg2: memref<4096x200xi32, #tpu.memory_space<hbm>>, %arg3: memref<367809x64xf32, #tpu.memory_space<hbm>>, %arg4: memref<4096x64xf32, #tpu.memory_space<hbm>>, %arg5: memref<128x200xi32, #tpu.memory_space<vmem>>, %arg6: memref<104x64xf32, #tpu.memory_space<vmem>>, %arg7: memref<96x64xf32, #tpu.memory_space<vmem>>, %arg8: memref<104x64xf32, #tpu.memory_space<vmem>>, %arg9: memref<96x64xf32, #tpu.memory_space<vmem>>, %arg10: memref<104x64xf32, #tpu.memory_space<vmem>>, %arg11: memref<96x64xf32, #tpu.memory_space<vmem>>, %arg12: memref<104x64xf32, #tpu.memory_space<vmem>>, %arg13: memref<96x64xf32, #tpu.memory_space<vmem>>, %arg14: memref<128x64xf32, #tpu.memory_space<vmem>>, %arg15: memref<!tpu.dma_semaphore, #tpu.memory_space<semaphore_mem>>, %arg16: memref<!tpu.dma_semaphore, #tpu.memory_space<semaphore_mem>>, %arg17: memref<!tpu.dma_semaphore, #tpu.memory_space<semaphore_mem>>, %arg18: memref<!tpu.dma_semaphore, #tpu.memory_space<semaphore_mem>>, %arg19: memref<!tpu.dma_semaphore, #tpu.memory_space<semaphore_mem>>, %arg20: memref<!tpu.dma_semaphore, #tpu.memory_space<semaphore_mem>>, %arg21: memref<!tpu.dma_semaphore, #tpu.memory_space<semaphore_mem>>, %arg22: memref<!tpu.dma_semaphore, #tpu.memory_space<semaphore_mem>>) attributes {dimension_semantics = [#tpu.dimension_semantics<core_parallel>, #tpu.dimension_semantics<subcore_parallel>], iteration_bounds = array<i64: 2, 16>, scalar_prefetch = 0 : i64, scratch_operands = 18 : i64, tpu.core_type = #tpu.core_type<sc_vector_subcore>, window_params = [{transform_indices = #map}, {transform_indices = #map}, {transform_indices = #map}]} {
    %mul3A = arith.constant 2 : i32
    %mul3A_0 = arith.muli %arg1, %mul3A : i32
    %add3A = arith.addi %mul3A_0, %arg0 : i32
    %mul3A_1 = arith.constant 128 : i32
    %mul3A_2 = arith.muli %add3A, %mul3A_1 : i32
    "tpu.region"() ({
      %run_scoped3A = tpu.sem_alloc : memref<!tpu.dma_semaphore, #tpu.memory_space<semaphore_mem>>
      %dma_start3A_66 = arith.constant 0 : i32
      %dma_start3A_67 = tpu.memref_slice %arg2[%mul3A_2, %dma_start3A_66] : memref<4096x200xi32, #tpu.memory_space<hbm>> -> memref<128x200xi32, #tpu.memory_space<hbm>>
      %dma_start3A_68 = arith.constant 0 : i32
      %dma_start3A_69 = tpu.memref_slice %arg2[%mul3A_2, %dma_start3A_68] : memref<4096x200xi32, #tpu.memory_space<hbm>> -> memref<128x200xi32, #tpu.memory_space<hbm>>
      tpu.enqueue_dma source(%dma_start3A_69 : memref<128x200xi32, #tpu.memory_space<hbm>>) target(%arg5 : memref<128x200xi32, #tpu.memory_space<vmem>>) target_semaphore(%run_scoped3A : memref<!tpu.dma_semaphore, #tpu.memory_space<semaphore_mem>>)
      %dma_wait3A = arith.constant 0 : i32
      %dma_wait3A_70 = tpu.memref_slice %arg2[%mul3A_2, %dma_wait3A] : memref<4096x200xi32, #tpu.memory_space<hbm>> -> memref<128x200xi32, #tpu.memory_space<hbm>>
      %dma_wait3A_71 = arith.constant 0 : i32
      %dma_wait3A_72 = tpu.memref_slice %arg2[%mul3A_2, %dma_wait3A_71] : memref<4096x200xi32, #tpu.memory_space<hbm>> -> memref<128x200xi32, #tpu.memory_space<hbm>>
      tpu.wait_dma2 semaphore(%run_scoped3A : memref<!tpu.dma_semaphore, #tpu.memory_space<semaphore_mem>>) src(%dma_wait3A_72 : memref<128x200xi32, #tpu.memory_space<hbm>>) dst(%arg5 : memref<128x200xi32, #tpu.memory_space<vmem>>)
      tpu.yield
    }) : () -> ()
    %dma_start3A = arith.constant 0 : i32
    %dma_start3A_3 = arith.constant 0 : i32
    %dma_start3A_4 = tpu.memref_slice %arg5[%dma_start3A, %dma_start3A_3] : memref<128x200xi32, #tpu.memory_space<vmem>> -> memref<1x104xi32, #tpu.memory_space<vmem>>
    %dma_start3A_5 = tpu.memref_squeeze %dma_start3A_4 : memref<1x104xi32, #tpu.memory_space<vmem>> -> memref<104xi32, #tpu.memory_space<vmem>>
    %dma_start3A_6 = arith.constant 0 : i32
    %dma_start3A_7 = arith.constant 0 : i32
    %dma_start3A_8 = tpu.memref_slice %arg3[%dma_start3A_6, %dma_start3A_7] : memref<367809x64xf32, #tpu.memory_space<hbm>> -> memref<367809x64xf32, #tpu.memory_space<hbm>>
    tpu.enqueue_indirect_dma source(%dma_start3A_8 : memref<367809x64xf32, #tpu.memory_space<hbm>>) target(%arg6 : memref<104x64xf32, #tpu.memory_space<vmem>>) offsets(%dma_start3A_5 : memref<104xi32, #tpu.memory_space<vmem>>) semaphore(%arg15 : memref<!tpu.dma_semaphore, #tpu.memory_space<semaphore_mem>>)
    %dma_start3A_9 = arith.constant 0 : i32
    %dma_start3A_10 = arith.constant 104 : i32
    %dma_start3A_11 = tpu.memref_slice %arg5[%dma_start3A_9, %dma_start3A_10] : memref<128x200xi32, #tpu.memory_space<vmem>> -> memref<1x96xi32, #tpu.memory_space<vmem>>
    %dma_start3A_12 = tpu.memref_squeeze %dma_start3A_11 : memref<1x96xi32, #tpu.memory_space<vmem>> -> memref<96xi32, #tpu.memory_space<vmem>>
    %dma_start3A_13 = arith.constant 0 : i32
    %dma_start3A_14 = arith.constant 0 : i32
    %dma_start3A_15 = tpu.memref_slice %arg3[%dma_start3A_13, %dma_start3A_14] : memref<367809x64xf32, #tpu.memory_space<hbm>> -> memref<367809x64xf32, #tpu.memory_space<hbm>>
    tpu.enqueue_indirect_dma source(%dma_start3A_15 : memref<367809x64xf32, #tpu.memory_space<hbm>>) target(%arg7 : memref<96x64xf32, #tpu.memory_space<vmem>>) offsets(%dma_start3A_12 : memref<96xi32, #tpu.memory_space<vmem>>) semaphore(%arg16 : memref<!tpu.dma_semaphore, #tpu.memory_space<semaphore_mem>>)
    %dma_start3A_16 = arith.constant 1 : i32
    %dma_start3A_17 = arith.constant 0 : i32
    %dma_start3A_18 = tpu.memref_slice %arg5[%dma_start3A_16, %dma_start3A_17] : memref<128x200xi32, #tpu.memory_space<vmem>> -> memref<1x104xi32, #tpu.memory_space<vmem>>
    %dma_start3A_19 = tpu.memref_squeeze %dma_start3A_18 : memref<1x104xi32, #tpu.memory_space<vmem>> -> memref<104xi32, #tpu.memory_space<vmem>>
    %dma_start3A_20 = arith.constant 0 : i32
    %dma_start3A_21 = arith.constant 0 : i32
    %dma_start3A_22 = tpu.memref_slice %arg3[%dma_start3A_20, %dma_start3A_21] : memref<367809x64xf32, #tpu.memory_space<hbm>> -> memref<367809x64xf32, #tpu.memory_space<hbm>>
    tpu.enqueue_indirect_dma source(%dma_start3A_22 : memref<367809x64xf32, #tpu.memory_space<hbm>>) target(%arg8 : memref<104x64xf32, #tpu.memory_space<vmem>>) offsets(%dma_start3A_19 : memref<104xi32, #tpu.memory_space<vmem>>) semaphore(%arg17 : memref<!tpu.dma_semaphore, #tpu.memory_space<semaphore_mem>>)
    %dma_start3A_23 = arith.constant 1 : i32
    %dma_start3A_24 = arith.constant 104 : i32
    %dma_start3A_25 = tpu.memref_slice %arg5[%dma_start3A_23, %dma_start3A_24] : memref<128x200xi32, #tpu.memory_space<vmem>> -> memref<1x96xi32, #tpu.memory_space<vmem>>
    %dma_start3A_26 = tpu.memref_squeeze %dma_start3A_25 : memref<1x96xi32, #tpu.memory_space<vmem>> -> memref<96xi32, #tpu.memory_space<vmem>>
    %dma_start3A_27 = arith.constant 0 : i32
    %dma_start3A_28 = arith.constant 0 : i32
    %dma_start3A_29 = tpu.memref_slice %arg3[%dma_start3A_27, %dma_start3A_28] : memref<367809x64xf32, #tpu.memory_space<hbm>> -> memref<367809x64xf32, #tpu.memory_space<hbm>>
    tpu.enqueue_indirect_dma source(%dma_start3A_29 : memref<367809x64xf32, #tpu.memory_space<hbm>>) target(%arg9 : memref<96x64xf32, #tpu.memory_space<vmem>>) offsets(%dma_start3A_26 : memref<96xi32, #tpu.memory_space<vmem>>) semaphore(%arg18 : memref<!tpu.dma_semaphore, #tpu.memory_space<semaphore_mem>>)
    %dma_start3A_30 = arith.constant 2 : i32
    %dma_start3A_31 = arith.constant 0 : i32
    %dma_start3A_32 = tpu.memref_slice %arg5[%dma_start3A_30, %dma_start3A_31] : memref<128x200xi32, #tpu.memory_space<vmem>> -> memref<1x104xi32, #tpu.memory_space<vmem>>
    %dma_start3A_33 = tpu.memref_squeeze %dma_start3A_32 : memref<1x104xi32, #tpu.memory_space<vmem>> -> memref<104xi32, #tpu.memory_space<vmem>>
    %dma_start3A_34 = arith.constant 0 : i32
    %dma_start3A_35 = arith.constant 0 : i32
    %dma_start3A_36 = tpu.memref_slice %arg3[%dma_start3A_34, %dma_start3A_35] : memref<367809x64xf32, #tpu.memory_space<hbm>> -> memref<367809x64xf32, #tpu.memory_space<hbm>>
    tpu.enqueue_indirect_dma source(%dma_start3A_36 : memref<367809x64xf32, #tpu.memory_space<hbm>>) target(%arg10 : memref<104x64xf32, #tpu.memory_space<vmem>>) offsets(%dma_start3A_33 : memref<104xi32, #tpu.memory_space<vmem>>) semaphore(%arg19 : memref<!tpu.dma_semaphore, #tpu.memory_space<semaphore_mem>>)
    %dma_start3A_37 = arith.constant 2 : i32
    %dma_start3A_38 = arith.constant 104 : i32
    %dma_start3A_39 = tpu.memref_slice %arg5[%dma_start3A_37, %dma_start3A_38] : memref<128x200xi32, #tpu.memory_space<vmem>> -> memref<1x96xi32, #tpu.memory_space<vmem>>
    %dma_start3A_40 = tpu.memref_squeeze %dma_start3A_39 : memref<1x96xi32, #tpu.memory_space<vmem>> -> memref<96xi32, #tpu.memory_space<vmem>>
    %dma_start3A_41 = arith.constant 0 : i32
    %dma_start3A_42 = arith.constant 0 : i32
    %dma_start3A_43 = tpu.memref_slice %arg3[%dma_start3A_41, %dma_start3A_42] : memref<367809x64xf32, #tpu.memory_space<hbm>> -> memref<367809x64xf32, #tpu.memory_space<hbm>>
    tpu.enqueue_indirect_dma source(%dma_start3A_43 : memref<367809x64xf32, #tpu.memory_space<hbm>>) target(%arg11 : memref<96x64xf32, #tpu.memory_space<vmem>>) offsets(%dma_start3A_40 : memref<96xi32, #tpu.memory_space<vmem>>) semaphore(%arg20 : memref<!tpu.dma_semaphore, #tpu.memory_space<semaphore_mem>>)
    %dma_start3A_44 = arith.constant 3 : i32
    %dma_start3A_45 = arith.constant 0 : i32
    %dma_start3A_46 = tpu.memref_slice %arg5[%dma_start3A_44, %dma_start3A_45] : memref<128x200xi32, #tpu.memory_space<vmem>> -> memref<1x104xi32, #tpu.memory_space<vmem>>
    %dma_start3A_47 = tpu.memref_squeeze %dma_start3A_46 : memref<1x104xi32, #tpu.memory_space<vmem>> -> memref<104xi32, #tpu.memory_space<vmem>>
    %dma_start3A_48 = arith.constant 0 : i32
    %dma_start3A_49 = arith.constant 0 : i32
    %dma_start3A_50 = tpu.memref_slice %arg3[%dma_start3A_48, %dma_start3A_49] : memref<367809x64xf32, #tpu.memory_space<hbm>> -> memref<367809x64xf32, #tpu.memory_space<hbm>>
    tpu.enqueue_indirect_dma source(%dma_start3A_50 : memref<367809x64xf32, #tpu.memory_space<hbm>>) target(%arg12 : memref<104x64xf32, #tpu.memory_space<vmem>>) offsets(%dma_start3A_47 : memref<104xi32, #tpu.memory_space<vmem>>) semaphore(%arg21 : memref<!tpu.dma_semaphore, #tpu.memory_space<semaphore_mem>>)
    %dma_start3A_51 = arith.constant 3 : i32
    %dma_start3A_52 = arith.constant 104 : i32
    %dma_start3A_53 = tpu.memref_slice %arg5[%dma_start3A_51, %dma_start3A_52] : memref<128x200xi32, #tpu.memory_space<vmem>> -> memref<1x96xi32, #tpu.memory_space<vmem>>
    %dma_start3A_54 = tpu.memref_squeeze %dma_start3A_53 : memref<1x96xi32, #tpu.memory_space<vmem>> -> memref<96xi32, #tpu.memory_space<vmem>>
    %dma_start3A_55 = arith.constant 0 : i32
    %dma_start3A_56 = arith.constant 0 : i32
    %dma_start3A_57 = tpu.memref_slice %arg3[%dma_start3A_55, %dma_start3A_56] : memref<367809x64xf32, #tpu.memory_space<hbm>> -> memref<367809x64xf32, #tpu.memory_space<hbm>>
    tpu.enqueue_indirect_dma source(%dma_start3A_57 : memref<367809x64xf32, #tpu.memory_space<hbm>>) target(%arg13 : memref<96x64xf32, #tpu.memory_space<vmem>>) offsets(%dma_start3A_54 : memref<96xi32, #tpu.memory_space<vmem>>) semaphore(%arg22 : memref<!tpu.dma_semaphore, #tpu.memory_space<semaphore_mem>>)
    %broadcast_in_dim3A = arith.constant 0.000000e+00 : f32
    %broadcast_in_dim3A_58 = vector.broadcast %broadcast_in_dim3A : f32 to vector<16xf32>
    %scan3A = arith.constant 5.000000e-03 : f32
    %scan3A_59 = arith.constant 0 : i32
    %scan3A_60 = arith.constant 0 : i32
    %scan3A_61 = arith.constant 32 : i32
    %scan3A_62 = arith.addi %scan3A_60, %scan3A_61 : i32
    %scan3A_63 = arith.constant 1 : i32
    %scan3A_64 = scf.for %scan3A_66 = %scan3A_60 to %scan3A_62 step %scan3A_63 iter_args(%scan3A_67 = %scan3A_59) -> (i32)  : i32 {
      %mul3A_68 = arith.constant 4 : i32
      %mul3A_69 = arith.muli %mul3A_68, %scan3A_66 : i32
      %add3A_70 = arith.constant 0 : i32
      %add3A_71 = arith.addi %mul3A_69, %add3A_70 : i32
      %dma_wait3A = arith.constant 0 : i32
      %dma_wait3A_72 = arith.constant 0 : i32
      %dma_wait3A_73 = tpu.memref_slice %arg3[%dma_wait3A, %dma_wait3A_72] : memref<367809x64xf32, #tpu.memory_space<hbm>> -> memref<104x64xf32, #tpu.memory_space<hbm>>
      %dma_wait3A_74 = arith.constant 0 : i32
      %dma_wait3A_75 = arith.constant 0 : i32
      %dma_wait3A_76 = tpu.memref_slice %arg3[%dma_wait3A_74, %dma_wait3A_75] : memref<367809x64xf32, #tpu.memory_space<hbm>> -> memref<104x64xf32, #tpu.memory_space<hbm>>
      tpu.wait_dma2 semaphore(%arg15 : memref<!tpu.dma_semaphore, #tpu.memory_space<semaphore_mem>>) src(%dma_wait3A_76 : memref<104x64xf32, #tpu.memory_space<hbm>>) dst(%arg6 : memref<104x64xf32, #tpu.memory_space<vmem>>)
      %parallel_loop3A = arith.constant 0 : i32
      %parallel_loop3A_77 = arith.constant 104 : i32
      %parallel_loop3A_78 = arith.constant 1 : i32
      %parallel_loop3A_79:4 = scf.for %parallel_loop3A_327 = %parallel_loop3A to %parallel_loop3A_77 step %parallel_loop3A_78 iter_args(%parallel_loop3A_328 = %broadcast_in_dim3A_58, %parallel_loop3A_329 = %broadcast_in_dim3A_58, %parallel_loop3A_330 = %broadcast_in_dim3A_58, %parallel_loop3A_331 = %broadcast_in_dim3A_58) -> (vector<16xf32>, vector<16xf32>, vector<16xf32>, vector<16xf32>)  : i32 {
        %parallel_loop3A_332 = arith.index_cast %parallel_loop3A_327 : i32 to index
        %parallel_loop3A_333 = arith.constant 0 : index
        %parallel_loop3A_334 = tpu.vector_load %arg6[%parallel_loop3A_332, %parallel_loop3A_333] {strides = array<i32>} : memref<104x64xf32, #tpu.memory_space<vmem>>, vector<1x16xf32>,
        %parallel_loop3A_335 = vector.shape_cast %parallel_loop3A_334 : vector<1x16xf32> to vector<16xf32>
        %parallel_loop3A_336 = arith.addf %parallel_loop3A_328, %parallel_loop3A_335 : vector<16xf32>
        %parallel_loop3A_337 = arith.index_cast %parallel_loop3A_327 : i32 to index
        %parallel_loop3A_338 = arith.constant 16 : index
        %parallel_loop3A_339 = tpu.vector_load %arg6[%parallel_loop3A_337, %parallel_loop3A_338] {strides = array<i32>} : memref<104x64xf32, #tpu.memory_space<vmem>>, vector<1x16xf32>,
        %parallel_loop3A_340 = vector.shape_cast %parallel_loop3A_339 : vector<1x16xf32> to vector<16xf32>
        %parallel_loop3A_341 = arith.addf %parallel_loop3A_329, %parallel_loop3A_340 : vector<16xf32>
        %parallel_loop3A_342 = arith.index_cast %parallel_loop3A_327 : i32 to index
        %parallel_loop3A_343 = arith.constant 32 : index
        %parallel_loop3A_344 = tpu.vector_load %arg6[%parallel_loop3A_342, %parallel_loop3A_343] {strides = array<i32>} : memref<104x64xf32, #tpu.memory_space<vmem>>, vector<1x16xf32>,
        %parallel_loop3A_345 = vector.shape_cast %parallel_loop3A_344 : vector<1x16xf32> to vector<16xf32>
        %parallel_loop3A_346 = arith.addf %parallel_loop3A_330, %parallel_loop3A_345 : vector<16xf32>
        %parallel_loop3A_347 = arith.index_cast %parallel_loop3A_327 : i32 to index
        %parallel_loop3A_348 = arith.constant 48 : index
        %parallel_loop3A_349 = tpu.vector_load %arg6[%parallel_loop3A_347, %parallel_loop3A_348] {strides = array<i32>} : memref<104x64xf32, #tpu.memory_space<vmem>>, vector<1x16xf32>,
        %parallel_loop3A_350 = vector.shape_cast %parallel_loop3A_349 : vector<1x16xf32> to vector<16xf32>
        %parallel_loop3A_351 = arith.addf %parallel_loop3A_331, %parallel_loop3A_350 : vector<16xf32>
        scf.yield %parallel_loop3A_336, %parallel_loop3A_341, %parallel_loop3A_346, %parallel_loop3A_351 : vector<16xf32>, vector<16xf32>, vector<16xf32>, vector<16xf32>
      } {sc.loop_unroll_factor = 8 : i64, sc.parallel_access}
      %add3A_80 = arith.constant 4 : i32
      %add3A_81 = arith.addi %add3A_71, %add3A_80 : i32
      %lt3A = arith.constant 128 : i32
      %lt3A_82 = arith.cmpi slt, %add3A_81, %lt3A : i32
      %convert_element_type3A = arith.extui %lt3A_82 : i1 to i32
      %cond3A = arith.constant 0 : i32
      %cond3A_83 = arith.cmpi ne, %convert_element_type3A, %cond3A : i32
      scf.if %cond3A_83 {
        %dma_start3A_327 = arith.constant 0 : i32
        %dma_start3A_328 = tpu.memref_slice %arg5[%add3A_81, %dma_start3A_327] : memref<128x200xi32, #tpu.memory_space<vmem>> -> memref<1x104xi32, #tpu.memory_space<vmem>>
        %dma_start3A_329 = tpu.memref_squeeze %dma_start3A_328 : memref<1x104xi32, #tpu.memory_space<vmem>> -> memref<104xi32, #tpu.memory_space<vmem>>
        %dma_start3A_330 = arith.constant 0 : i32
        %dma_start3A_331 = arith.constant 0 : i32
        %dma_start3A_332 = tpu.memref_slice %arg3[%dma_start3A_330, %dma_start3A_331] : memref<367809x64xf32, #tpu.memory_space<hbm>> -> memref<367809x64xf32, #tpu.memory_space<hbm>>
        tpu.enqueue_indirect_dma source(%dma_start3A_332 : memref<367809x64xf32, #tpu.memory_space<hbm>>) target(%arg6 : memref<104x64xf32, #tpu.memory_space<vmem>>) offsets(%dma_start3A_329 : memref<104xi32, #tpu.memory_space<vmem>>) semaphore(%arg15 : memref<!tpu.dma_semaphore, #tpu.memory_space<semaphore_mem>>)
      } else {
      }
      %dma_wait3A_84 = arith.constant 0 : i32
      %dma_wait3A_85 = arith.constant 0 : i32
      %dma_wait3A_86 = tpu.memref_slice %arg3[%dma_wait3A_84, %dma_wait3A_85] : memref<367809x64xf32, #tpu.memory_space<hbm>> -> memref<96x64xf32, #tpu.memory_space<hbm>>
      %dma_wait3A_87 = arith.constant 0 : i32
      %dma_wait3A_88 = arith.constant 0 : i32
      %dma_wait3A_89 = tpu.memref_slice %arg3[%dma_wait3A_87, %dma_wait3A_88] : memref<367809x64xf32, #tpu.memory_space<hbm>> -> memref<96x64xf32, #tpu.memory_space<hbm>>
      tpu.wait_dma2 semaphore(%arg16 : memref<!tpu.dma_semaphore, #tpu.memory_space<semaphore_mem>>) src(%dma_wait3A_89 : memref<96x64xf32, #tpu.memory_space<hbm>>) dst(%arg7 : memref<96x64xf32, #tpu.memory_space<vmem>>)
      %parallel_loop3A_90 = arith.constant 0 : i32
      %parallel_loop3A_91 = arith.constant 96 : i32
      %parallel_loop3A_92 = arith.constant 1 : i32
      %parallel_loop3A_93:4 = scf.for %parallel_loop3A_327 = %parallel_loop3A_90 to %parallel_loop3A_91 step %parallel_loop3A_92 iter_args(%parallel_loop3A_328 = %parallel_loop3A_79#0, %parallel_loop3A_329 = %parallel_loop3A_79#1, %parallel_loop3A_330 = %parallel_loop3A_79#2, %parallel_loop3A_331 = %parallel_loop3A_79#3) -> (vector<16xf32>, vector<16xf32>, vector<16xf32>, vector<16xf32>)  : i32 {
        %parallel_loop3A_332 = arith.index_cast %parallel_loop3A_327 : i32 to index
        %parallel_loop3A_333 = arith.constant 0 : index
        %parallel_loop3A_334 = tpu.vector_load %arg7[%parallel_loop3A_332, %parallel_loop3A_333] {strides = array<i32>} : memref<96x64xf32, #tpu.memory_space<vmem>>, vector<1x16xf32>,
        %parallel_loop3A_335 = vector.shape_cast %parallel_loop3A_334 : vector<1x16xf32> to vector<16xf32>
        %parallel_loop3A_336 = arith.addf %parallel_loop3A_328, %parallel_loop3A_335 : vector<16xf32>
        %parallel_loop3A_337 = arith.index_cast %parallel_loop3A_327 : i32 to index
        %parallel_loop3A_338 = arith.constant 16 : index
        %parallel_loop3A_339 = tpu.vector_load %arg7[%parallel_loop3A_337, %parallel_loop3A_338] {strides = array<i32>} : memref<96x64xf32, #tpu.memory_space<vmem>>, vector<1x16xf32>,
        %parallel_loop3A_340 = vector.shape_cast %parallel_loop3A_339 : vector<1x16xf32> to vector<16xf32>
        %parallel_loop3A_341 = arith.addf %parallel_loop3A_329, %parallel_loop3A_340 : vector<16xf32>
        %parallel_loop3A_342 = arith.index_cast %parallel_loop3A_327 : i32 to index
        %parallel_loop3A_343 = arith.constant 32 : index
        %parallel_loop3A_344 = tpu.vector_load %arg7[%parallel_loop3A_342, %parallel_loop3A_343] {strides = array<i32>} : memref<96x64xf32, #tpu.memory_space<vmem>>, vector<1x16xf32>,
        %parallel_loop3A_345 = vector.shape_cast %parallel_loop3A_344 : vector<1x16xf32> to vector<16xf32>
        %parallel_loop3A_346 = arith.addf %parallel_loop3A_330, %parallel_loop3A_345 : vector<16xf32>
        %parallel_loop3A_347 = arith.index_cast %parallel_loop3A_327 : i32 to index
        %parallel_loop3A_348 = arith.constant 48 : index
        %parallel_loop3A_349 = tpu.vector_load %arg7[%parallel_loop3A_347, %parallel_loop3A_348] {strides = array<i32>} : memref<96x64xf32, #tpu.memory_space<vmem>>, vector<1x16xf32>,
        %parallel_loop3A_350 = vector.shape_cast %parallel_loop3A_349 : vector<1x16xf32> to vector<16xf32>
        %parallel_loop3A_351 = arith.addf %parallel_loop3A_331, %parallel_loop3A_350 : vector<16xf32>
        scf.yield %parallel_loop3A_336, %parallel_loop3A_341, %parallel_loop3A_346, %parallel_loop3A_351 : vector<16xf32>, vector<16xf32>, vector<16xf32>, vector<16xf32>
      } {sc.loop_unroll_factor = 8 : i64, sc.parallel_access}
      %add3A_94 = arith.constant 4 : i32
      %add3A_95 = arith.addi %add3A_71, %add3A_94 : i32
      %lt3A_96 = arith.constant 128 : i32
      %lt3A_97 = arith.cmpi slt, %add3A_95, %lt3A_96 : i32
      %convert_element_type3A_98 = arith.extui %lt3A_97 : i1 to i32
      %cond3A_99 = arith.constant 0 : i32
      %cond3A_100 = arith.cmpi ne, %convert_element_type3A_98, %cond3A_99 : i32
      scf.if %cond3A_100 {
        %dma_start3A_327 = arith.constant 104 : i32
        %dma_start3A_328 = tpu.memref_slice %arg5[%add3A_95, %dma_start3A_327] : memref<128x200xi32, #tpu.memory_space<vmem>> -> memref<1x96xi32, #tpu.memory_space<vmem>>
        %dma_start3A_329 = tpu.memref_squeeze %dma_start3A_328 : memref<1x96xi32, #tpu.memory_space<vmem>> -> memref<96xi32, #tpu.memory_space<vmem>>
        %dma_start3A_330 = arith.constant 0 : i32
        %dma_start3A_331 = arith.constant 0 : i32
        %dma_start3A_332 = tpu.memref_slice %arg3[%dma_start3A_330, %dma_start3A_331] : memref<367809x64xf32, #tpu.memory_space<hbm>> -> memref<367809x64xf32, #tpu.memory_space<hbm>>
        tpu.enqueue_indirect_dma source(%dma_start3A_332 : memref<367809x64xf32, #tpu.memory_space<hbm>>) target(%arg7 : memref<96x64xf32, #tpu.memory_space<vmem>>) offsets(%dma_start3A_329 : memref<96xi32, #tpu.memory_space<vmem>>) semaphore(%arg16 : memref<!tpu.dma_semaphore, #tpu.memory_space<semaphore_mem>>)
      } else {
      }
      %mul3A_101 = vector.broadcast %scan3A : f32 to vector<16xf32>
      %mul3A_102 = arith.mulf %parallel_loop3A_93#0, %mul3A_101 : vector<16xf32>
      %swap3A = arith.index_cast %add3A_71 : i32 to index
      %swap3A_103 = arith.constant 0 : index
      %swap3A_104 = tpu.vector_load %arg14[%swap3A, %swap3A_103] {strides = array<i32>} : memref<128x64xf32, #tpu.memory_space<vmem>>, vector<1x16xf32>,
      %swap3A_105 = vector.shape_cast %swap3A_104 : vector<1x16xf32> to vector<16xf32>
      %swap3A_106 = vector.shape_cast %mul3A_102 : vector<16xf32> to vector<1x16xf32>
      tpu.vector_store %arg14[%swap3A, %swap3A_103], %swap3A_106 {strides = array<i32>} : memref<128x64xf32, #tpu.memory_space<vmem>>, vector<1x16xf32>,
      %mul3A_107 = vector.broadcast %scan3A : f32 to vector<16xf32>
      %mul3A_108 = arith.mulf %parallel_loop3A_93#1, %mul3A_107 : vector<16xf32>
      %swap3A_109 = arith.index_cast %add3A_71 : i32 to index
      %swap3A_110 = arith.constant 16 : index
      %swap3A_111 = tpu.vector_load %arg14[%swap3A_109, %swap3A_110] {strides = array<i32>} : memref<128x64xf32, #tpu.memory_space<vmem>>, vector<1x16xf32>,
      %swap3A_112 = vector.shape_cast %swap3A_111 : vector<1x16xf32> to vector<16xf32>
      %swap3A_113 = vector.shape_cast %mul3A_108 : vector<16xf32> to vector<1x16xf32>
      tpu.vector_store %arg14[%swap3A_109, %swap3A_110], %swap3A_113 {strides = array<i32>} : memref<128x64xf32, #tpu.memory_space<vmem>>, vector<1x16xf32>,
      %mul3A_114 = vector.broadcast %scan3A : f32 to vector<16xf32>
      %mul3A_115 = arith.mulf %parallel_loop3A_93#2, %mul3A_114 : vector<16xf32>
      %swap3A_116 = arith.index_cast %add3A_71 : i32 to index
      %swap3A_117 = arith.constant 32 : index
      %swap3A_118 = tpu.vector_load %arg14[%swap3A_116, %swap3A_117] {strides = array<i32>} : memref<128x64xf32, #tpu.memory_space<vmem>>, vector<1x16xf32>,
      %swap3A_119 = vector.shape_cast %swap3A_118 : vector<1x16xf32> to vector<16xf32>
      %swap3A_120 = vector.shape_cast %mul3A_115 : vector<16xf32> to vector<1x16xf32>
      tpu.vector_store %arg14[%swap3A_116, %swap3A_117], %swap3A_120 {strides = array<i32>} : memref<128x64xf32, #tpu.memory_space<vmem>>, vector<1x16xf32>,
      %mul3A_121 = vector.broadcast %scan3A : f32 to vector<16xf32>
      %mul3A_122 = arith.mulf %parallel_loop3A_93#3, %mul3A_121 : vector<16xf32>
      %swap3A_123 = arith.index_cast %add3A_71 : i32 to index
      %swap3A_124 = arith.constant 48 : index
      %swap3A_125 = tpu.vector_load %arg14[%swap3A_123, %swap3A_124] {strides = array<i32>} : memref<128x64xf32, #tpu.memory_space<vmem>>, vector<1x16xf32>,
      %swap3A_126 = vector.shape_cast %swap3A_125 : vector<1x16xf32> to vector<16xf32>
      %swap3A_127 = vector.shape_cast %mul3A_122 : vector<16xf32> to vector<1x16xf32>
      tpu.vector_store %arg14[%swap3A_123, %swap3A_124], %swap3A_127 {strides = array<i32>} : memref<128x64xf32, #tpu.memory_space<vmem>>, vector<1x16xf32>,
      %mul3A_128 = arith.constant 4 : i32
      %mul3A_129 = arith.muli %mul3A_128, %scan3A_66 : i32
      %add3A_130 = arith.constant 1 : i32
      %add3A_131 = arith.addi %mul3A_129, %add3A_130 : i32
      %dma_wait3A_132 = arith.constant 0 : i32
      %dma_wait3A_133 = arith.constant 0 : i32
      %dma_wait3A_134 = tpu.memref_slice %arg3[%dma_wait3A_132, %dma_wait3A_133] : memref<367809x64xf32, #tpu.memory_space<hbm>> -> memref<104x64xf32, #tpu.memory_space<hbm>>
      %dma_wait3A_135 = arith.constant 0 : i32
      %dma_wait3A_136 = arith.constant 0 : i32
      %dma_wait3A_137 = tpu.memref_slice %arg3[%dma_wait3A_135, %dma_wait3A_136] : memref<367809x64xf32, #tpu.memory_space<hbm>> -> memref<104x64xf32, #tpu.memory_space<hbm>>
      tpu.wait_dma2 semaphore(%arg17 : memref<!tpu.dma_semaphore, #tpu.memory_space<semaphore_mem>>) src(%dma_wait3A_137 : memref<104x64xf32, #tpu.memory_space<hbm>>) dst(%arg8 : memref<104x64xf32, #tpu.memory_space<vmem>>)
      %parallel_loop3A_138 = arith.constant 0 : i32
      %parallel_loop3A_139 = arith.constant 104 : i32
      %parallel_loop3A_140 = arith.constant 1 : i32
      %parallel_loop3A_141:4 = scf.for %parallel_loop3A_327 = %parallel_loop3A_138 to %parallel_loop3A_139 step %parallel_loop3A_140 iter_args(%parallel_loop3A_328 = %broadcast_in_dim3A_58, %parallel_loop3A_329 = %broadcast_in_dim3A_58, %parallel_loop3A_330 = %broadcast_in_dim3A_58, %parallel_loop3A_331 = %broadcast_in_dim3A_58) -> (vector<16xf32>, vector<16xf32>, vector<16xf32>, vector<16xf32>)  : i32 {
        %parallel_loop3A_332 = arith.index_cast %parallel_loop3A_327 : i32 to index
        %parallel_loop3A_333 = arith.constant 0 : index
        %parallel_loop3A_334 = tpu.vector_load %arg8[%parallel_loop3A_332, %parallel_loop3A_333] {strides = array<i32>} : memref<104x64xf32, #tpu.memory_space<vmem>>, vector<1x16xf32>,
        %parallel_loop3A_335 = vector.shape_cast %parallel_loop3A_334 : vector<1x16xf32> to vector<16xf32>
        %parallel_loop3A_336 = arith.addf %parallel_loop3A_328, %parallel_loop3A_335 : vector<16xf32>
        %parallel_loop3A_337 = arith.index_cast %parallel_loop3A_327 : i32 to index
        %parallel_loop3A_338 = arith.constant 16 : index
        %parallel_loop3A_339 = tpu.vector_load %arg8[%parallel_loop3A_337, %parallel_loop3A_338] {strides = array<i32>} : memref<104x64xf32, #tpu.memory_space<vmem>>, vector<1x16xf32>,
        %parallel_loop3A_340 = vector.shape_cast %parallel_loop3A_339 : vector<1x16xf32> to vector<16xf32>
        %parallel_loop3A_341 = arith.addf %parallel_loop3A_329, %parallel_loop3A_340 : vector<16xf32>
        %parallel_loop3A_342 = arith.index_cast %parallel_loop3A_327 : i32 to index
        %parallel_loop3A_343 = arith.constant 32 : index
        %parallel_loop3A_344 = tpu.vector_load %arg8[%parallel_loop3A_342, %parallel_loop3A_343] {strides = array<i32>} : memref<104x64xf32, #tpu.memory_space<vmem>>, vector<1x16xf32>,
        %parallel_loop3A_345 = vector.shape_cast %parallel_loop3A_344 : vector<1x16xf32> to vector<16xf32>
        %parallel_loop3A_346 = arith.addf %parallel_loop3A_330, %parallel_loop3A_345 : vector<16xf32>
        %parallel_loop3A_347 = arith.index_cast %parallel_loop3A_327 : i32 to index
        %parallel_loop3A_348 = arith.constant 48 : index
        %parallel_loop3A_349 = tpu.vector_load %arg8[%parallel_loop3A_347, %parallel_loop3A_348] {strides = array<i32>} : memref<104x64xf32, #tpu.memory_space<vmem>>, vector<1x16xf32>,
        %parallel_loop3A_350 = vector.shape_cast %parallel_loop3A_349 : vector<1x16xf32> to vector<16xf32>
        %parallel_loop3A_351 = arith.addf %parallel_loop3A_331, %parallel_loop3A_350 : vector<16xf32>
        scf.yield %parallel_loop3A_336, %parallel_loop3A_341, %parallel_loop3A_346, %parallel_loop3A_351 : vector<16xf32>, vector<16xf32>, vector<16xf32>, vector<16xf32>
      } {sc.loop_unroll_factor = 8 : i64, sc.parallel_access}
      %add3A_142 = arith.constant 4 : i32
      %add3A_143 = arith.addi %add3A_131, %add3A_142 : i32
      %lt3A_144 = arith.constant 128 : i32
      %lt3A_145 = arith.cmpi slt, %add3A_143, %lt3A_144 : i32
      %convert_element_type3A_146 = arith.extui %lt3A_145 : i1 to i32
      %cond3A_147 = arith.constant 0 : i32
      %cond3A_148 = arith.cmpi ne, %convert_element_type3A_146, %cond3A_147 : i32
      scf.if %cond3A_148 {
        %dma_start3A_327 = arith.constant 0 : i32
        %dma_start3A_328 = tpu.memref_slice %arg5[%add3A_143, %dma_start3A_327] : memref<128x200xi32, #tpu.memory_space<vmem>> -> memref<1x104xi32, #tpu.memory_space<vmem>>
        %dma_start3A_329 = tpu.memref_squeeze %dma_start3A_328 : memref<1x104xi32, #tpu.memory_space<vmem>> -> memref<104xi32, #tpu.memory_space<vmem>>
        %dma_start3A_330 = arith.constant 0 : i32
        %dma_start3A_331 = arith.constant 0 : i32
        %dma_start3A_332 = tpu.memref_slice %arg3[%dma_start3A_330, %dma_start3A_331] : memref<367809x64xf32, #tpu.memory_space<hbm>> -> memref<367809x64xf32, #tpu.memory_space<hbm>>
        tpu.enqueue_indirect_dma source(%dma_start3A_332 : memref<367809x64xf32, #tpu.memory_space<hbm>>) target(%arg8 : memref<104x64xf32, #tpu.memory_space<vmem>>) offsets(%dma_start3A_329 : memref<104xi32, #tpu.memory_space<vmem>>) semaphore(%arg17 : memref<!tpu.dma_semaphore, #tpu.memory_space<semaphore_mem>>)
      } else {
      }
      %dma_wait3A_149 = arith.constant 0 : i32
      %dma_wait3A_150 = arith.constant 0 : i32
      %dma_wait3A_151 = tpu.memref_slice %arg3[%dma_wait3A_149, %dma_wait3A_150] : memref<367809x64xf32, #tpu.memory_space<hbm>> -> memref<96x64xf32, #tpu.memory_space<hbm>>
      %dma_wait3A_152 = arith.constant 0 : i32
      %dma_wait3A_153 = arith.constant 0 : i32
      %dma_wait3A_154 = tpu.memref_slice %arg3[%dma_wait3A_152, %dma_wait3A_153] : memref<367809x64xf32, #tpu.memory_space<hbm>> -> memref<96x64xf32, #tpu.memory_space<hbm>>
      tpu.wait_dma2 semaphore(%arg18 : memref<!tpu.dma_semaphore, #tpu.memory_space<semaphore_mem>>) src(%dma_wait3A_154 : memref<96x64xf32, #tpu.memory_space<hbm>>) dst(%arg9 : memref<96x64xf32, #tpu.memory_space<vmem>>)
      %parallel_loop3A_155 = arith.constant 0 : i32
      %parallel_loop3A_156 = arith.constant 96 : i32
      %parallel_loop3A_157 = arith.constant 1 : i32
      %parallel_loop3A_158:4 = scf.for %parallel_loop3A_327 = %parallel_loop3A_155 to %parallel_loop3A_156 step %parallel_loop3A_157 iter_args(%parallel_loop3A_328 = %parallel_loop3A_141#0, %parallel_loop3A_329 = %parallel_loop3A_141#1, %parallel_loop3A_330 = %parallel_loop3A_141#2, %parallel_loop3A_331 = %parallel_loop3A_141#3) -> (vector<16xf32>, vector<16xf32>, vector<16xf32>, vector<16xf32>)  : i32 {
        %parallel_loop3A_332 = arith.index_cast %parallel_loop3A_327 : i32 to index
        %parallel_loop3A_333 = arith.constant 0 : index
        %parallel_loop3A_334 = tpu.vector_load %arg9[%parallel_loop3A_332, %parallel_loop3A_333] {strides = array<i32>} : memref<96x64xf32, #tpu.memory_space<vmem>>, vector<1x16xf32>,
        %parallel_loop3A_335 = vector.shape_cast %parallel_loop3A_334 : vector<1x16xf32> to vector<16xf32>
        %parallel_loop3A_336 = arith.addf %parallel_loop3A_328, %parallel_loop3A_335 : vector<16xf32>
        %parallel_loop3A_337 = arith.index_cast %parallel_loop3A_327 : i32 to index
        %parallel_loop3A_338 = arith.constant 16 : index
        %parallel_loop3A_339 = tpu.vector_load %arg9[%parallel_loop3A_337, %parallel_loop3A_338] {strides = array<i32>} : memref<96x64xf32, #tpu.memory_space<vmem>>, vector<1x16xf32>,
        %parallel_loop3A_340 = vector.shape_cast %parallel_loop3A_339 : vector<1x16xf32> to vector<16xf32>
        %parallel_loop3A_341 = arith.addf %parallel_loop3A_329, %parallel_loop3A_340 : vector<16xf32>
        %parallel_loop3A_342 = arith.index_cast %parallel_loop3A_327 : i32 to index
        %parallel_loop3A_343 = arith.constant 32 : index
        %parallel_loop3A_344 = tpu.vector_load %arg9[%parallel_loop3A_342, %parallel_loop3A_343] {strides = array<i32>} : memref<96x64xf32, #tpu.memory_space<vmem>>, vector<1x16xf32>,
        %parallel_loop3A_345 = vector.shape_cast %parallel_loop3A_344 : vector<1x16xf32> to vector<16xf32>
        %parallel_loop3A_346 = arith.addf %parallel_loop3A_330, %parallel_loop3A_345 : vector<16xf32>
        %parallel_loop3A_347 = arith.index_cast %parallel_loop3A_327 : i32 to index
        %parallel_loop3A_348 = arith.constant 48 : index
        %parallel_loop3A_349 = tpu.vector_load %arg9[%parallel_loop3A_347, %parallel_loop3A_348] {strides = array<i32>} : memref<96x64xf32, #tpu.memory_space<vmem>>, vector<1x16xf32>,
        %parallel_loop3A_350 = vector.shape_cast %parallel_loop3A_349 : vector<1x16xf32> to vector<16xf32>
        %parallel_loop3A_351 = arith.addf %parallel_loop3A_331, %parallel_loop3A_350 : vector<16xf32>
        scf.yield %parallel_loop3A_336, %parallel_loop3A_341, %parallel_loop3A_346, %parallel_loop3A_351 : vector<16xf32>, vector<16xf32>, vector<16xf32>, vector<16xf32>
      } {sc.loop_unroll_factor = 8 : i64, sc.parallel_access}
      %add3A_159 = arith.constant 4 : i32
      %add3A_160 = arith.addi %add3A_131, %add3A_159 : i32
      %lt3A_161 = arith.constant 128 : i32
      %lt3A_162 = arith.cmpi slt, %add3A_160, %lt3A_161 : i32
      %convert_element_type3A_163 = arith.extui %lt3A_162 : i1 to i32
      %cond3A_164 = arith.constant 0 : i32
      %cond3A_165 = arith.cmpi ne, %convert_element_type3A_163, %cond3A_164 : i32
      scf.if %cond3A_165 {
        %dma_start3A_327 = arith.constant 104 : i32
        %dma_start3A_328 = tpu.memref_slice %arg5[%add3A_160, %dma_start3A_327] : memref<128x200xi32, #tpu.memory_space<vmem>> -> memref<1x96xi32, #tpu.memory_space<vmem>>
        %dma_start3A_329 = tpu.memref_squeeze %dma_start3A_328 : memref<1x96xi32, #tpu.memory_space<vmem>> -> memref<96xi32, #tpu.memory_space<vmem>>
        %dma_start3A_330 = arith.constant 0 : i32
        %dma_start3A_331 = arith.constant 0 : i32
        %dma_start3A_332 = tpu.memref_slice %arg3[%dma_start3A_330, %dma_start3A_331] : memref<367809x64xf32, #tpu.memory_space<hbm>> -> memref<367809x64xf32, #tpu.memory_space<hbm>>
        tpu.enqueue_indirect_dma source(%dma_start3A_332 : memref<367809x64xf32, #tpu.memory_space<hbm>>) target(%arg9 : memref<96x64xf32, #tpu.memory_space<vmem>>) offsets(%dma_start3A_329 : memref<96xi32, #tpu.memory_space<vmem>>) semaphore(%arg18 : memref<!tpu.dma_semaphore, #tpu.memory_space<semaphore_mem>>)
      } else {
      }
      %mul3A_166 = vector.broadcast %scan3A : f32 to vector<16xf32>
      %mul3A_167 = arith.mulf %parallel_loop3A_158#0, %mul3A_166 : vector<16xf32>
      %swap3A_168 = arith.index_cast %add3A_131 : i32 to index
      %swap3A_169 = arith.constant 0 : index
      %swap3A_170 = tpu.vector_load %arg14[%swap3A_168, %swap3A_169] {strides = array<i32>} : memref<128x64xf32, #tpu.memory_space<vmem>>, vector<1x16xf32>,
      %swap3A_171 = vector.shape_cast %swap3A_170 : vector<1x16xf32> to vector<16xf32>
      %swap3A_172 = vector.shape_cast %mul3A_167 : vector<16xf32> to vector<1x16xf32>
      tpu.vector_store %arg14[%swap3A_168, %swap3A_169], %swap3A_172 {strides = array<i32>} : memref<128x64xf32, #tpu.memory_space<vmem>>, vector<1x16xf32>,
      %mul3A_173 = vector.broadcast %scan3A : f32 to vector<16xf32>
      %mul3A_174 = arith.mulf %parallel_loop3A_158#1, %mul3A_173 : vector<16xf32>
      %swap3A_175 = arith.index_cast %add3A_131 : i32 to index
      %swap3A_176 = arith.constant 16 : index
      %swap3A_177 = tpu.vector_load %arg14[%swap3A_175, %swap3A_176] {strides = array<i32>} : memref<128x64xf32, #tpu.memory_space<vmem>>, vector<1x16xf32>,
      %swap3A_178 = vector.shape_cast %swap3A_177 : vector<1x16xf32> to vector<16xf32>
      %swap3A_179 = vector.shape_cast %mul3A_174 : vector<16xf32> to vector<1x16xf32>
      tpu.vector_store %arg14[%swap3A_175, %swap3A_176], %swap3A_179 {strides = array<i32>} : memref<128x64xf32, #tpu.memory_space<vmem>>, vector<1x16xf32>,
      %mul3A_180 = vector.broadcast %scan3A : f32 to vector<16xf32>
      %mul3A_181 = arith.mulf %parallel_loop3A_158#2, %mul3A_180 : vector<16xf32>
      %swap3A_182 = arith.index_cast %add3A_131 : i32 to index
      %swap3A_183 = arith.constant 32 : index
      %swap3A_184 = tpu.vector_load %arg14[%swap3A_182, %swap3A_183] {strides = array<i32>} : memref<128x64xf32, #tpu.memory_space<vmem>>, vector<1x16xf32>,
      %swap3A_185 = vector.shape_cast %swap3A_184 : vector<1x16xf32> to vector<16xf32>
      %swap3A_186 = vector.shape_cast %mul3A_181 : vector<16xf32> to vector<1x16xf32>
      tpu.vector_store %arg14[%swap3A_182, %swap3A_183], %swap3A_186 {strides = array<i32>} : memref<128x64xf32, #tpu.memory_space<vmem>>, vector<1x16xf32>,
      %mul3A_187 = vector.broadcast %scan3A : f32 to vector<16xf32>
      %mul3A_188 = arith.mulf %parallel_loop3A_158#3, %mul3A_187 : vector<16xf32>
      %swap3A_189 = arith.index_cast %add3A_131 : i32 to index
      %swap3A_190 = arith.constant 48 : index
      %swap3A_191 = tpu.vector_load %arg14[%swap3A_189, %swap3A_190] {strides = array<i32>} : memref<128x64xf32, #tpu.memory_space<vmem>>, vector<1x16xf32>,
      %swap3A_192 = vector.shape_cast %swap3A_191 : vector<1x16xf32> to vector<16xf32>
      %swap3A_193 = vector.shape_cast %mul3A_188 : vector<16xf32> to vector<1x16xf32>
      tpu.vector_store %arg14[%swap3A_189, %swap3A_190], %swap3A_193 {strides = array<i32>} : memref<128x64xf32, #tpu.memory_space<vmem>>, vector<1x16xf32>,
      %mul3A_194 = arith.constant 4 : i32
      %mul3A_195 = arith.muli %mul3A_194, %scan3A_66 : i32
      %add3A_196 = arith.constant 2 : i32
      %add3A_197 = arith.addi %mul3A_195, %add3A_196 : i32
      %dma_wait3A_198 = arith.constant 0 : i32
      %dma_wait3A_199 = arith.constant 0 : i32
      %dma_wait3A_200 = tpu.memref_slice %arg3[%dma_wait3A_198, %dma_wait3A_199] : memref<367809x64xf32, #tpu.memory_space<hbm>> -> memref<104x64xf32, #tpu.memory_space<hbm>>
      %dma_wait3A_201 = arith.constant 0 : i32
      %dma_wait3A_202 = arith.constant 0 : i32
      %dma_wait3A_203 = tpu.memref_slice %arg3[%dma_wait3A_201, %dma_wait3A_202] : memref<367809x64xf32, #tpu.memory_space<hbm>> -> memref<104x64xf32, #tpu.memory_space<hbm>>
      tpu.wait_dma2 semaphore(%arg19 : memref<!tpu.dma_semaphore, #tpu.memory_space<semaphore_mem>>) src(%dma_wait3A_203 : memref<104x64xf32, #tpu.memory_space<hbm>>) dst(%arg10 : memref<104x64xf32, #tpu.memory_space<vmem>>)
      %parallel_loop3A_204 = arith.constant 0 : i32
      %parallel_loop3A_205 = arith.constant 104 : i32
      %parallel_loop3A_206 = arith.constant 1 : i32
      %parallel_loop3A_207:4 = scf.for %parallel_loop3A_327 = %parallel_loop3A_204 to %parallel_loop3A_205 step %parallel_loop3A_206 iter_args(%parallel_loop3A_328 = %broadcast_in_dim3A_58, %parallel_loop3A_329 = %broadcast_in_dim3A_58, %parallel_loop3A_330 = %broadcast_in_dim3A_58, %parallel_loop3A_331 = %broadcast_in_dim3A_58) -> (vector<16xf32>, vector<16xf32>, vector<16xf32>, vector<16xf32>)  : i32 {
        %parallel_loop3A_332 = arith.index_cast %parallel_loop3A_327 : i32 to index
        %parallel_loop3A_333 = arith.constant 0 : index
        %parallel_loop3A_334 = tpu.vector_load %arg10[%parallel_loop3A_332, %parallel_loop3A_333] {strides = array<i32>} : memref<104x64xf32, #tpu.memory_space<vmem>>, vector<1x16xf32>,
        %parallel_loop3A_335 = vector.shape_cast %parallel_loop3A_334 : vector<1x16xf32> to vector<16xf32>
        %parallel_loop3A_336 = arith.addf %parallel_loop3A_328, %parallel_loop3A_335 : vector<16xf32>
        %parallel_loop3A_337 = arith.index_cast %parallel_loop3A_327 : i32 to index
        %parallel_loop3A_338 = arith.constant 16 : index
        %parallel_loop3A_339 = tpu.vector_load %arg10[%parallel_loop3A_337, %parallel_loop3A_338] {strides = array<i32>} : memref<104x64xf32, #tpu.memory_space<vmem>>, vector<1x16xf32>,
        %parallel_loop3A_340 = vector.shape_cast %parallel_loop3A_339 : vector<1x16xf32> to vector<16xf32>
        %parallel_loop3A_341 = arith.addf %parallel_loop3A_329, %parallel_loop3A_340 : vector<16xf32>
        %parallel_loop3A_342 = arith.index_cast %parallel_loop3A_327 : i32 to index
        %parallel_loop3A_343 = arith.constant 32 : index
        %parallel_loop3A_344 = tpu.vector_load %arg10[%parallel_loop3A_342, %parallel_loop3A_343] {strides = array<i32>} : memref<104x64xf32, #tpu.memory_space<vmem>>, vector<1x16xf32>,
        %parallel_loop3A_345 = vector.shape_cast %parallel_loop3A_344 : vector<1x16xf32> to vector<16xf32>
        %parallel_loop3A_346 = arith.addf %parallel_loop3A_330, %parallel_loop3A_345 : vector<16xf32>
        %parallel_loop3A_347 = arith.index_cast %parallel_loop3A_327 : i32 to index
        %parallel_loop3A_348 = arith.constant 48 : index
        %parallel_loop3A_349 = tpu.vector_load %arg10[%parallel_loop3A_347, %parallel_loop3A_348] {strides = array<i32>} : memref<104x64xf32, #tpu.memory_space<vmem>>, vector<1x16xf32>,
        %parallel_loop3A_350 = vector.shape_cast %parallel_loop3A_349 : vector<1x16xf32> to vector<16xf32>
        %parallel_loop3A_351 = arith.addf %parallel_loop3A_331, %parallel_loop3A_350 : vector<16xf32>
        scf.yield %parallel_loop3A_336, %parallel_loop3A_341, %parallel_loop3A_346, %parallel_loop3A_351 : vector<16xf32>, vector<16xf32>, vector<16xf32>, vector<16xf32>
      } {sc.loop_unroll_factor = 8 : i64, sc.parallel_access}
      %add3A_208 = arith.constant 4 : i32
      %add3A_209 = arith.addi %add3A_197, %add3A_208 : i32
      %lt3A_210 = arith.constant 128 : i32
      %lt3A_211 = arith.cmpi slt, %add3A_209, %lt3A_210 : i32
      %convert_element_type3A_212 = arith.extui %lt3A_211 : i1 to i32
      %cond3A_213 = arith.constant 0 : i32
      %cond3A_214 = arith.cmpi ne, %convert_element_type3A_212, %cond3A_213 : i32
      scf.if %cond3A_214 {
        %dma_start3A_327 = arith.constant 0 : i32
        %dma_start3A_328 = tpu.memref_slice %arg5[%add3A_209, %dma_start3A_327] : memref<128x200xi32, #tpu.memory_space<vmem>> -> memref<1x104xi32, #tpu.memory_space<vmem>>
        %dma_start3A_329 = tpu.memref_squeeze %dma_start3A_328 : memref<1x104xi32, #tpu.memory_space<vmem>> -> memref<104xi32, #tpu.memory_space<vmem>>
        %dma_start3A_330 = arith.constant 0 : i32
        %dma_start3A_331 = arith.constant 0 : i32
        %dma_start3A_332 = tpu.memref_slice %arg3[%dma_start3A_330, %dma_start3A_331] : memref<367809x64xf32, #tpu.memory_space<hbm>> -> memref<367809x64xf32, #tpu.memory_space<hbm>>
        tpu.enqueue_indirect_dma source(%dma_start3A_332 : memref<367809x64xf32, #tpu.memory_space<hbm>>) target(%arg10 : memref<104x64xf32, #tpu.memory_space<vmem>>) offsets(%dma_start3A_329 : memref<104xi32, #tpu.memory_space<vmem>>) semaphore(%arg19 : memref<!tpu.dma_semaphore, #tpu.memory_space<semaphore_mem>>)
      } else {
      }
      %dma_wait3A_215 = arith.constant 0 : i32
      %dma_wait3A_216 = arith.constant 0 : i32
      %dma_wait3A_217 = tpu.memref_slice %arg3[%dma_wait3A_215, %dma_wait3A_216] : memref<367809x64xf32, #tpu.memory_space<hbm>> -> memref<96x64xf32, #tpu.memory_space<hbm>>
      %dma_wait3A_218 = arith.constant 0 : i32
      %dma_wait3A_219 = arith.constant 0 : i32
      %dma_wait3A_220 = tpu.memref_slice %arg3[%dma_wait3A_218, %dma_wait3A_219] : memref<367809x64xf32, #tpu.memory_space<hbm>> -> memref<96x64xf32, #tpu.memory_space<hbm>>
      tpu.wait_dma2 semaphore(%arg20 : memref<!tpu.dma_semaphore, #tpu.memory_space<semaphore_mem>>) src(%dma_wait3A_220 : memref<96x64xf32, #tpu.memory_space<hbm>>) dst(%arg11 : memref<96x64xf32, #tpu.memory_space<vmem>>)
      %parallel_loop3A_221 = arith.constant 0 : i32
      %parallel_loop3A_222 = arith.constant 96 : i32
      %parallel_loop3A_223 = arith.constant 1 : i32
      %parallel_loop3A_224:4 = scf.for %parallel_loop3A_327 = %parallel_loop3A_221 to %parallel_loop3A_222 step %parallel_loop3A_223 iter_args(%parallel_loop3A_328 = %parallel_loop3A_207#0, %parallel_loop3A_329 = %parallel_loop3A_207#1, %parallel_loop3A_330 = %parallel_loop3A_207#2, %parallel_loop3A_331 = %parallel_loop3A_207#3) -> (vector<16xf32>, vector<16xf32>, vector<16xf32>, vector<16xf32>)  : i32 {
        %parallel_loop3A_332 = arith.index_cast %parallel_loop3A_327 : i32 to index
        %parallel_loop3A_333 = arith.constant 0 : index
        %parallel_loop3A_334 = tpu.vector_load %arg11[%parallel_loop3A_332, %parallel_loop3A_333] {strides = array<i32>} : memref<96x64xf32, #tpu.memory_space<vmem>>, vector<1x16xf32>,
        %parallel_loop3A_335 = vector.shape_cast %parallel_loop3A_334 : vector<1x16xf32> to vector<16xf32>
        %parallel_loop3A_336 = arith.addf %parallel_loop3A_328, %parallel_loop3A_335 : vector<16xf32>
        %parallel_loop3A_337 = arith.index_cast %parallel_loop3A_327 : i32 to index
        %parallel_loop3A_338 = arith.constant 16 : index
        %parallel_loop3A_339 = tpu.vector_load %arg11[%parallel_loop3A_337, %parallel_loop3A_338] {strides = array<i32>} : memref<96x64xf32, #tpu.memory_space<vmem>>, vector<1x16xf32>,
        %parallel_loop3A_340 = vector.shape_cast %parallel_loop3A_339 : vector<1x16xf32> to vector<16xf32>
        %parallel_loop3A_341 = arith.addf %parallel_loop3A_329, %parallel_loop3A_340 : vector<16xf32>
        %parallel_loop3A_342 = arith.index_cast %parallel_loop3A_327 : i32 to index
        %parallel_loop3A_343 = arith.constant 32 : index
        %parallel_loop3A_344 = tpu.vector_load %arg11[%parallel_loop3A_342, %parallel_loop3A_343] {strides = array<i32>} : memref<96x64xf32, #tpu.memory_space<vmem>>, vector<1x16xf32>,
        %parallel_loop3A_345 = vector.shape_cast %parallel_loop3A_344 : vector<1x16xf32> to vector<16xf32>
        %parallel_loop3A_346 = arith.addf %parallel_loop3A_330, %parallel_loop3A_345 : vector<16xf32>
        %parallel_loop3A_347 = arith.index_cast %parallel_loop3A_327 : i32 to index
        %parallel_loop3A_348 = arith.constant 48 : index
        %parallel_loop3A_349 = tpu.vector_load %arg11[%parallel_loop3A_347, %parallel_loop3A_348] {strides = array<i32>} : memref<96x64xf32, #tpu.memory_space<vmem>>, vector<1x16xf32>,
        %parallel_loop3A_350 = vector.shape_cast %parallel_loop3A_349 : vector<1x16xf32> to vector<16xf32>
        %parallel_loop3A_351 = arith.addf %parallel_loop3A_331, %parallel_loop3A_350 : vector<16xf32>
        scf.yield %parallel_loop3A_336, %parallel_loop3A_341, %parallel_loop3A_346, %parallel_loop3A_351 : vector<16xf32>, vector<16xf32>, vector<16xf32>, vector<16xf32>
      } {sc.loop_unroll_factor = 8 : i64, sc.parallel_access}
      %add3A_225 = arith.constant 4 : i32
      %add3A_226 = arith.addi %add3A_197, %add3A_225 : i32
      %lt3A_227 = arith.constant 128 : i32
      %lt3A_228 = arith.cmpi slt, %add3A_226, %lt3A_227 : i32
      %convert_element_type3A_229 = arith.extui %lt3A_228 : i1 to i32
      %cond3A_230 = arith.constant 0 : i32
      %cond3A_231 = arith.cmpi ne, %convert_element_type3A_229, %cond3A_230 : i32
      scf.if %cond3A_231 {
        %dma_start3A_327 = arith.constant 104 : i32
        %dma_start3A_328 = tpu.memref_slice %arg5[%add3A_226, %dma_start3A_327] : memref<128x200xi32, #tpu.memory_space<vmem>> -> memref<1x96xi32, #tpu.memory_space<vmem>>
        %dma_start3A_329 = tpu.memref_squeeze %dma_start3A_328 : memref<1x96xi32, #tpu.memory_space<vmem>> -> memref<96xi32, #tpu.memory_space<vmem>>
        %dma_start3A_330 = arith.constant 0 : i32
        %dma_start3A_331 = arith.constant 0 : i32
        %dma_start3A_332 = tpu.memref_slice %arg3[%dma_start3A_330, %dma_start3A_331] : memref<367809x64xf32, #tpu.memory_space<hbm>> -> memref<367809x64xf32, #tpu.memory_space<hbm>>
        tpu.enqueue_indirect_dma source(%dma_start3A_332 : memref<367809x64xf32, #tpu.memory_space<hbm>>) target(%arg11 : memref<96x64xf32, #tpu.memory_space<vmem>>) offsets(%dma_start3A_329 : memref<96xi32, #tpu.memory_space<vmem>>) semaphore(%arg20 : memref<!tpu.dma_semaphore, #tpu.memory_space<semaphore_mem>>)
      } else {
      }
      %mul3A_232 = vector.broadcast %scan3A : f32 to vector<16xf32>
      %mul3A_233 = arith.mulf %parallel_loop3A_224#0, %mul3A_232 : vector<16xf32>
      %swap3A_234 = arith.index_cast %add3A_197 : i32 to index
      %swap3A_235 = arith.constant 0 : index
      %swap3A_236 = tpu.vector_load %arg14[%swap3A_234, %swap3A_235] {strides = array<i32>} : memref<128x64xf32, #tpu.memory_space<vmem>>, vector<1x16xf32>,
      %swap3A_237 = vector.shape_cast %swap3A_236 : vector<1x16xf32> to vector<16xf32>
      %swap3A_238 = vector.shape_cast %mul3A_233 : vector<16xf32> to vector<1x16xf32>
      tpu.vector_store %arg14[%swap3A_234, %swap3A_235], %swap3A_238 {strides = array<i32>} : memref<128x64xf32, #tpu.memory_space<vmem>>, vector<1x16xf32>,
      %mul3A_239 = vector.broadcast %scan3A : f32 to vector<16xf32>
      %mul3A_240 = arith.mulf %parallel_loop3A_224#1, %mul3A_239 : vector<16xf32>
      %swap3A_241 = arith.index_cast %add3A_197 : i32 to index
      %swap3A_242 = arith.constant 16 : index
      %swap3A_243 = tpu.vector_load %arg14[%swap3A_241, %swap3A_242] {strides = array<i32>} : memref<128x64xf32, #tpu.memory_space<vmem>>, vector<1x16xf32>,
      %swap3A_244 = vector.shape_cast %swap3A_243 : vector<1x16xf32> to vector<16xf32>
      %swap3A_245 = vector.shape_cast %mul3A_240 : vector<16xf32> to vector<1x16xf32>
      tpu.vector_store %arg14[%swap3A_241, %swap3A_242], %swap3A_245 {strides = array<i32>} : memref<128x64xf32, #tpu.memory_space<vmem>>, vector<1x16xf32>,
      %mul3A_246 = vector.broadcast %scan3A : f32 to vector<16xf32>
      %mul3A_247 = arith.mulf %parallel_loop3A_224#2, %mul3A_246 : vector<16xf32>
      %swap3A_248 = arith.index_cast %add3A_197 : i32 to index
      %swap3A_249 = arith.constant 32 : index
      %swap3A_250 = tpu.vector_load %arg14[%swap3A_248, %swap3A_249] {strides = array<i32>} : memref<128x64xf32, #tpu.memory_space<vmem>>, vector<1x16xf32>,
      %swap3A_251 = vector.shape_cast %swap3A_250 : vector<1x16xf32> to vector<16xf32>
      %swap3A_252 = vector.shape_cast %mul3A_247 : vector<16xf32> to vector<1x16xf32>
      tpu.vector_store %arg14[%swap3A_248, %swap3A_249], %swap3A_252 {strides = array<i32>} : memref<128x64xf32, #tpu.memory_space<vmem>>, vector<1x16xf32>,
      %mul3A_253 = vector.broadcast %scan3A : f32 to vector<16xf32>
      %mul3A_254 = arith.mulf %parallel_loop3A_224#3, %mul3A_253 : vector<16xf32>
      %swap3A_255 = arith.index_cast %add3A_197 : i32 to index
      %swap3A_256 = arith.constant 48 : index
      %swap3A_257 = tpu.vector_load %arg14[%swap3A_255, %swap3A_256] {strides = array<i32>} : memref<128x64xf32, #tpu.memory_space<vmem>>, vector<1x16xf32>,
      %swap3A_258 = vector.shape_cast %swap3A_257 : vector<1x16xf32> to vector<16xf32>
      %swap3A_259 = vector.shape_cast %mul3A_254 : vector<16xf32> to vector<1x16xf32>
      tpu.vector_store %arg14[%swap3A_255, %swap3A_256], %swap3A_259 {strides = array<i32>} : memref<128x64xf32, #tpu.memory_space<vmem>>, vector<1x16xf32>,
      %mul3A_260 = arith.constant 4 : i32
      %mul3A_261 = arith.muli %mul3A_260, %scan3A_66 : i32
      %add3A_262 = arith.constant 3 : i32
      %add3A_263 = arith.addi %mul3A_261, %add3A_262 : i32
      %dma_wait3A_264 = arith.constant 0 : i32
      %dma_wait3A_265 = arith.constant 0 : i32
      %dma_wait3A_266 = tpu.memref_slice %arg3[%dma_wait3A_264, %dma_wait3A_265] : memref<367809x64xf32, #tpu.memory_space<hbm>> -> memref<104x64xf32, #tpu.memory_space<hbm>>
      %dma_wait3A_267 = arith.constant 0 : i32
      %dma_wait3A_268 = arith.constant 0 : i32
      %dma_wait3A_269 = tpu.memref_slice %arg3[%dma_wait3A_267, %dma_wait3A_268] : memref<367809x64xf32, #tpu.memory_space<hbm>> -> memref<104x64xf32, #tpu.memory_space<hbm>>
      tpu.wait_dma2 semaphore(%arg21 : memref<!tpu.dma_semaphore, #tpu.memory_space<semaphore_mem>>) src(%dma_wait3A_269 : memref<104x64xf32, #tpu.memory_space<hbm>>) dst(%arg12 : memref<104x64xf32, #tpu.memory_space<vmem>>)
      %parallel_loop3A_270 = arith.constant 0 : i32
      %parallel_loop3A_271 = arith.constant 104 : i32
      %parallel_loop3A_272 = arith.constant 1 : i32
      %parallel_loop3A_273:4 = scf.for %parallel_loop3A_327 = %parallel_loop3A_270 to %parallel_loop3A_271 step %parallel_loop3A_272 iter_args(%parallel_loop3A_328 = %broadcast_in_dim3A_58, %parallel_loop3A_329 = %broadcast_in_dim3A_58, %parallel_loop3A_330 = %broadcast_in_dim3A_58, %parallel_loop3A_331 = %broadcast_in_dim3A_58) -> (vector<16xf32>, vector<16xf32>, vector<16xf32>, vector<16xf32>)  : i32 {
        %parallel_loop3A_332 = arith.index_cast %parallel_loop3A_327 : i32 to index
        %parallel_loop3A_333 = arith.constant 0 : index
        %parallel_loop3A_334 = tpu.vector_load %arg12[%parallel_loop3A_332, %parallel_loop3A_333] {strides = array<i32>} : memref<104x64xf32, #tpu.memory_space<vmem>>, vector<1x16xf32>,
        %parallel_loop3A_335 = vector.shape_cast %parallel_loop3A_334 : vector<1x16xf32> to vector<16xf32>
        %parallel_loop3A_336 = arith.addf %parallel_loop3A_328, %parallel_loop3A_335 : vector<16xf32>
        %parallel_loop3A_337 = arith.index_cast %parallel_loop3A_327 : i32 to index
        %parallel_loop3A_338 = arith.constant 16 : index
        %parallel_loop3A_339 = tpu.vector_load %arg12[%parallel_loop3A_337, %parallel_loop3A_338] {strides = array<i32>} : memref<104x64xf32, #tpu.memory_space<vmem>>, vector<1x16xf32>,
        %parallel_loop3A_340 = vector.shape_cast %parallel_loop3A_339 : vector<1x16xf32> to vector<16xf32>
        %parallel_loop3A_341 = arith.addf %parallel_loop3A_329, %parallel_loop3A_340 : vector<16xf32>
        %parallel_loop3A_342 = arith.index_cast %parallel_loop3A_327 : i32 to index
        %parallel_loop3A_343 = arith.constant 32 : index
        %parallel_loop3A_344 = tpu.vector_load %arg12[%parallel_loop3A_342, %parallel_loop3A_343] {strides = array<i32>} : memref<104x64xf32, #tpu.memory_space<vmem>>, vector<1x16xf32>,
        %parallel_loop3A_345 = vector.shape_cast %parallel_loop3A_344 : vector<1x16xf32> to vector<16xf32>
        %parallel_loop3A_346 = arith.addf %parallel_loop3A_330, %parallel_loop3A_345 : vector<16xf32>
        %parallel_loop3A_347 = arith.index_cast %parallel_loop3A_327 : i32 to index
        %parallel_loop3A_348 = arith.constant 48 : index
        %parallel_loop3A_349 = tpu.vector_load %arg12[%parallel_loop3A_347, %parallel_loop3A_348] {strides = array<i32>} : memref<104x64xf32, #tpu.memory_space<vmem>>, vector<1x16xf32>,
        %parallel_loop3A_350 = vector.shape_cast %parallel_loop3A_349 : vector<1x16xf32> to vector<16xf32>
        %parallel_loop3A_351 = arith.addf %parallel_loop3A_331, %parallel_loop3A_350 : vector<16xf32>
        scf.yield %parallel_loop3A_336, %parallel_loop3A_341, %parallel_loop3A_346, %parallel_loop3A_351 : vector<16xf32>, vector<16xf32>, vector<16xf32>, vector<16xf32>
      } {sc.loop_unroll_factor = 8 : i64, sc.parallel_access}
      %add3A_274 = arith.constant 4 : i32
      %add3A_275 = arith.addi %add3A_263, %add3A_274 : i32
      %lt3A_276 = arith.constant 128 : i32
      %lt3A_277 = arith.cmpi slt, %add3A_275, %lt3A_276 : i32
      %convert_element_type3A_278 = arith.extui %lt3A_277 : i1 to i32
      %cond3A_279 = arith.constant 0 : i32
      %cond3A_280 = arith.cmpi ne, %convert_element_type3A_278, %cond3A_279 : i32
      scf.if %cond3A_280 {
        %dma_start3A_327 = arith.constant 0 : i32
        %dma_start3A_328 = tpu.memref_slice %arg5[%add3A_275, %dma_start3A_327] : memref<128x200xi32, #tpu.memory_space<vmem>> -> memref<1x104xi32, #tpu.memory_space<vmem>>
        %dma_start3A_329 = tpu.memref_squeeze %dma_start3A_328 : memref<1x104xi32, #tpu.memory_space<vmem>> -> memref<104xi32, #tpu.memory_space<vmem>>
        %dma_start3A_330 = arith.constant 0 : i32
        %dma_start3A_331 = arith.constant 0 : i32
        %dma_start3A_332 = tpu.memref_slice %arg3[%dma_start3A_330, %dma_start3A_331] : memref<367809x64xf32, #tpu.memory_space<hbm>> -> memref<367809x64xf32, #tpu.memory_space<hbm>>
        tpu.enqueue_indirect_dma source(%dma_start3A_332 : memref<367809x64xf32, #tpu.memory_space<hbm>>) target(%arg12 : memref<104x64xf32, #tpu.memory_space<vmem>>) offsets(%dma_start3A_329 : memref<104xi32, #tpu.memory_space<vmem>>) semaphore(%arg21 : memref<!tpu.dma_semaphore, #tpu.memory_space<semaphore_mem>>)
      } else {
      }
      %dma_wait3A_281 = arith.constant 0 : i32
      %dma_wait3A_282 = arith.constant 0 : i32
      %dma_wait3A_283 = tpu.memref_slice %arg3[%dma_wait3A_281, %dma_wait3A_282] : memref<367809x64xf32, #tpu.memory_space<hbm>> -> memref<96x64xf32, #tpu.memory_space<hbm>>
      %dma_wait3A_284 = arith.constant 0 : i32
      %dma_wait3A_285 = arith.constant 0 : i32
      %dma_wait3A_286 = tpu.memref_slice %arg3[%dma_wait3A_284, %dma_wait3A_285] : memref<367809x64xf32, #tpu.memory_space<hbm>> -> memref<96x64xf32, #tpu.memory_space<hbm>>
      tpu.wait_dma2 semaphore(%arg22 : memref<!tpu.dma_semaphore, #tpu.memory_space<semaphore_mem>>) src(%dma_wait3A_286 : memref<96x64xf32, #tpu.memory_space<hbm>>) dst(%arg13 : memref<96x64xf32, #tpu.memory_space<vmem>>)
      %parallel_loop3A_287 = arith.constant 0 : i32
      %parallel_loop3A_288 = arith.constant 96 : i32
      %parallel_loop3A_289 = arith.constant 1 : i32
      %parallel_loop3A_290:4 = scf.for %parallel_loop3A_327 = %parallel_loop3A_287 to %parallel_loop3A_288 step %parallel_loop3A_289 iter_args(%parallel_loop3A_328 = %parallel_loop3A_273#0, %parallel_loop3A_329 = %parallel_loop3A_273#1, %parallel_loop3A_330 = %parallel_loop3A_273#2, %parallel_loop3A_331 = %parallel_loop3A_273#3) -> (vector<16xf32>, vector<16xf32>, vector<16xf32>, vector<16xf32>)  : i32 {
        %parallel_loop3A_332 = arith.index_cast %parallel_loop3A_327 : i32 to index
        %parallel_loop3A_333 = arith.constant 0 : index
        %parallel_loop3A_334 = tpu.vector_load %arg13[%parallel_loop3A_332, %parallel_loop3A_333] {strides = array<i32>} : memref<96x64xf32, #tpu.memory_space<vmem>>, vector<1x16xf32>,
        %parallel_loop3A_335 = vector.shape_cast %parallel_loop3A_334 : vector<1x16xf32> to vector<16xf32>
        %parallel_loop3A_336 = arith.addf %parallel_loop3A_328, %parallel_loop3A_335 : vector<16xf32>
        %parallel_loop3A_337 = arith.index_cast %parallel_loop3A_327 : i32 to index
        %parallel_loop3A_338 = arith.constant 16 : index
        %parallel_loop3A_339 = tpu.vector_load %arg13[%parallel_loop3A_337, %parallel_loop3A_338] {strides = array<i32>} : memref<96x64xf32, #tpu.memory_space<vmem>>, vector<1x16xf32>,
        %parallel_loop3A_340 = vector.shape_cast %parallel_loop3A_339 : vector<1x16xf32> to vector<16xf32>
        %parallel_loop3A_341 = arith.addf %parallel_loop3A_329, %parallel_loop3A_340 : vector<16xf32>
        %parallel_loop3A_342 = arith.index_cast %parallel_loop3A_327 : i32 to index
        %parallel_loop3A_343 = arith.constant 32 : index
        %parallel_loop3A_344 = tpu.vector_load %arg13[%parallel_loop3A_342, %parallel_loop3A_343] {strides = array<i32>} : memref<96x64xf32, #tpu.memory_space<vmem>>, vector<1x16xf32>,
        %parallel_loop3A_345 = vector.shape_cast %parallel_loop3A_344 : vector<1x16xf32> to vector<16xf32>
        %parallel_loop3A_346 = arith.addf %parallel_loop3A_330, %parallel_loop3A_345 : vector<16xf32>
        %parallel_loop3A_347 = arith.index_cast %parallel_loop3A_327 : i32 to index
        %parallel_loop3A_348 = arith.constant 48 : index
        %parallel_loop3A_349 = tpu.vector_load %arg13[%parallel_loop3A_347, %parallel_loop3A_348] {strides = array<i32>} : memref<96x64xf32, #tpu.memory_space<vmem>>, vector<1x16xf32>,
        %parallel_loop3A_350 = vector.shape_cast %parallel_loop3A_349 : vector<1x16xf32> to vector<16xf32>
        %parallel_loop3A_351 = arith.addf %parallel_loop3A_331, %parallel_loop3A_350 : vector<16xf32>
        scf.yield %parallel_loop3A_336, %parallel_loop3A_341, %parallel_loop3A_346, %parallel_loop3A_351 : vector<16xf32>, vector<16xf32>, vector<16xf32>, vector<16xf32>
      } {sc.loop_unroll_factor = 8 : i64, sc.parallel_access}
      %add3A_291 = arith.constant 4 : i32
      %add3A_292 = arith.addi %add3A_263, %add3A_291 : i32
      %lt3A_293 = arith.constant 128 : i32
      %lt3A_294 = arith.cmpi slt, %add3A_292, %lt3A_293 : i32
      %convert_element_type3A_295 = arith.extui %lt3A_294 : i1 to i32
      %cond3A_296 = arith.constant 0 : i32
      %cond3A_297 = arith.cmpi ne, %convert_element_type3A_295, %cond3A_296 : i32
      scf.if %cond3A_297 {
        %dma_start3A_327 = arith.constant 104 : i32
        %dma_start3A_328 = tpu.memref_slice %arg5[%add3A_292, %dma_start3A_327] : memref<128x200xi32, #tpu.memory_space<vmem>> -> memref<1x96xi32, #tpu.memory_space<vmem>>
        %dma_start3A_329 = tpu.memref_squeeze %dma_start3A_328 : memref<1x96xi32, #tpu.memory_space<vmem>> -> memref<96xi32, #tpu.memory_space<vmem>>
        %dma_start3A_330 = arith.constant 0 : i32
        %dma_start3A_331 = arith.constant 0 : i32
        %dma_start3A_332 = tpu.memref_slice %arg3[%dma_start3A_330, %dma_start3A_331] : memref<367809x64xf32, #tpu.memory_space<hbm>> -> memref<367809x64xf32, #tpu.memory_space<hbm>>
        tpu.enqueue_indirect_dma source(%dma_start3A_332 : memref<367809x64xf32, #tpu.memory_space<hbm>>) target(%arg13 : memref<96x64xf32, #tpu.memory_space<vmem>>) offsets(%dma_start3A_329 : memref<96xi32, #tpu.memory_space<vmem>>) semaphore(%arg22 : memref<!tpu.dma_semaphore, #tpu.memory_space<semaphore_mem>>)
      } else {
      }
      %mul3A_298 = vector.broadcast %scan3A : f32 to vector<16xf32>
      %mul3A_299 = arith.mulf %parallel_loop3A_290#0, %mul3A_298 : vector<16xf32>
      %swap3A_300 = arith.index_cast %add3A_263 : i32 to index
      %swap3A_301 = arith.constant 0 : index
      %swap3A_302 = tpu.vector_load %arg14[%swap3A_300, %swap3A_301] {strides = array<i32>} : memref<128x64xf32, #tpu.memory_space<vmem>>, vector<1x16xf32>,
      %swap3A_303 = vector.shape_cast %swap3A_302 : vector<1x16xf32> to vector<16xf32>
      %swap3A_304 = vector.shape_cast %mul3A_299 : vector<16xf32> to vector<1x16xf32>
      tpu.vector_store %arg14[%swap3A_300, %swap3A_301], %swap3A_304 {strides = array<i32>} : memref<128x64xf32, #tpu.memory_space<vmem>>, vector<1x16xf32>,
      %mul3A_305 = vector.broadcast %scan3A : f32 to vector<16xf32>
      %mul3A_306 = arith.mulf %parallel_loop3A_290#1, %mul3A_305 : vector<16xf32>
      %swap3A_307 = arith.index_cast %add3A_263 : i32 to index
      %swap3A_308 = arith.constant 16 : index
      %swap3A_309 = tpu.vector_load %arg14[%swap3A_307, %swap3A_308] {strides = array<i32>} : memref<128x64xf32, #tpu.memory_space<vmem>>, vector<1x16xf32>,
      %swap3A_310 = vector.shape_cast %swap3A_309 : vector<1x16xf32> to vector<16xf32>
      %swap3A_311 = vector.shape_cast %mul3A_306 : vector<16xf32> to vector<1x16xf32>
      tpu.vector_store %arg14[%swap3A_307, %swap3A_308], %swap3A_311 {strides = array<i32>} : memref<128x64xf32, #tpu.memory_space<vmem>>, vector<1x16xf32>,
      %mul3A_312 = vector.broadcast %scan3A : f32 to vector<16xf32>
      %mul3A_313 = arith.mulf %parallel_loop3A_290#2, %mul3A_312 : vector<16xf32>
      %swap3A_314 = arith.index_cast %add3A_263 : i32 to index
      %swap3A_315 = arith.constant 32 : index
      %swap3A_316 = tpu.vector_load %arg14[%swap3A_314, %swap3A_315] {strides = array<i32>} : memref<128x64xf32, #tpu.memory_space<vmem>>, vector<1x16xf32>,
      %swap3A_317 = vector.shape_cast %swap3A_316 : vector<1x16xf32> to vector<16xf32>
      %swap3A_318 = vector.shape_cast %mul3A_313 : vector<16xf32> to vector<1x16xf32>
      tpu.vector_store %arg14[%swap3A_314, %swap3A_315], %swap3A_318 {strides = array<i32>} : memref<128x64xf32, #tpu.memory_space<vmem>>, vector<1x16xf32>,
      %mul3A_319 = vector.broadcast %scan3A : f32 to vector<16xf32>
      %mul3A_320 = arith.mulf %parallel_loop3A_290#3, %mul3A_319 : vector<16xf32>
      %swap3A_321 = arith.index_cast %add3A_263 : i32 to index
      %swap3A_322 = arith.constant 48 : index
      %swap3A_323 = tpu.vector_load %arg14[%swap3A_321, %swap3A_322] {strides = array<i32>} : memref<128x64xf32, #tpu.memory_space<vmem>>, vector<1x16xf32>,
      %swap3A_324 = vector.shape_cast %swap3A_323 : vector<1x16xf32> to vector<16xf32>
      %swap3A_325 = vector.shape_cast %mul3A_320 : vector<16xf32> to vector<1x16xf32>
      tpu.vector_store %arg14[%swap3A_321, %swap3A_322], %swap3A_325 {strides = array<i32>} : memref<128x64xf32, #tpu.memory_space<vmem>>, vector<1x16xf32>,
      %scan3A_326 = arith.constant 0 : i32
      scf.yield %scan3A_326 : i32
    }
    %scan3A_65 = arith.constant 32 : i32
    "tpu.region"() ({
      %run_scoped3A = tpu.sem_alloc : memref<!tpu.dma_semaphore, #tpu.memory_space<semaphore_mem>>
      %dma_start3A_66 = arith.constant 0 : i32
      %dma_start3A_67 = tpu.memref_slice %arg4[%mul3A_2, %dma_start3A_66] : memref<4096x64xf32, #tpu.memory_space<hbm>> -> memref<128x64xf32, #tpu.memory_space<hbm>>
      %dma_start3A_68 = arith.constant 0 : i32
      %dma_start3A_69 = tpu.memref_slice %arg4[%mul3A_2, %dma_start3A_68] : memref<4096x64xf32, #tpu.memory_space<hbm>> -> memref<128x64xf32, #tpu.memory_space<hbm>>
      tpu.enqueue_dma source(%arg14 : memref<128x64xf32, #tpu.memory_space<vmem>>) target(%dma_start3A_69 : memref<128x64xf32, #tpu.memory_space<hbm>>) target_semaphore(%run_scoped3A : memref<!tpu.dma_semaphore, #tpu.memory_space<semaphore_mem>>)
      %dma_wait3A = arith.constant 0 : i32
      %dma_wait3A_70 = tpu.memref_slice %arg4[%mul3A_2, %dma_wait3A] : memref<4096x64xf32, #tpu.memory_space<hbm>> -> memref<128x64xf32, #tpu.memory_space<hbm>>
      %dma_wait3A_71 = arith.constant 0 : i32
      %dma_wait3A_72 = tpu.memref_slice %arg4[%mul3A_2, %dma_wait3A_71] : memref<4096x64xf32, #tpu.memory_space<hbm>> -> memref<128x64xf32, #tpu.memory_space<hbm>>
      tpu.wait_dma2 semaphore(%run_scoped3A : memref<!tpu.dma_semaphore, #tpu.memory_space<semaphore_mem>>) src(%arg14 : memref<128x64xf32, #tpu.memory_space<vmem>>) dst(%dma_wait3A_72 : memref<128x64xf32, #tpu.memory_space<hbm>>)
      tpu.yield
    }) : () -> ()
    return
  }
}

module attributes {stable_mosaic.version = 14 : i64} {
  func.func @_mlp_body(%arg0: memref<4096x64xf32, #tpu.memory_space<vmem>>, %arg1: memref<64x16xf32, #tpu.memory_space<vmem>>, %arg2: memref<1x16xf32, #tpu.memory_space<vmem>>, %arg3: memref<16x1xf32, #tpu.memory_space<vmem>>, %arg4: memref<1x1xf32, #tpu.memory_space<vmem>>, %arg5: memref<4096x1xf32, #tpu.memory_space<vmem>>) attributes {dimension_semantics = [], scalar_prefetch = 0 : i64, scratch_operands = 0 : i64, tpu.core_type = #tpu.core_type<tc>} {
    %get3A = arith.constant 0 : index
    %get3A_0 = arith.constant 0 : index
    %get3A_1 = vector.load %arg0[%get3A, %get3A_0] : memref<4096x64xf32, #tpu.memory_space<vmem>>, vector<4096x64xf32>
    %get3A_2 = arith.constant 0 : index
    %get3A_3 = arith.constant 0 : index
    %get3A_4 = vector.load %arg1[%get3A_2, %get3A_3] : memref<64x16xf32, #tpu.memory_space<vmem>>, vector<64x16xf32>
    %dot_general3A = arith.constant dense<0.000000e+00> : vector<4096x16xf32>
    %dot_general3A_5 = tpu.matmul %get3A_1, %get3A_4, %dot_general3A {dimension_numbers = #tpu.dot_dimension_numbers<[1], [0], [0], [1], [0, 0, 1, 1], [], []>, transpose_lhs_hint = false} : vector<4096x64xf32>, vector<64x16xf32>, vector<4096x16xf32> -> vector<4096x16xf32>
    %get3A_6 = arith.constant 0 : index
    %get3A_7 = arith.constant 0 : index
    %get3A_8 = vector.load %arg2[%get3A_6, %get3A_7] : memref<1x16xf32, #tpu.memory_space<vmem>>, vector<1x16xf32>
    %add3A = vector.broadcast %get3A_8 : vector<1x16xf32> to vector<4096x16xf32>
    %add3A_9 = arith.addf %dot_general3A_5, %add3A : vector<4096x16xf32>
    %max3A = arith.constant 0.000000e+00 : f32
    %max3A_10 = vector.broadcast %max3A : f32 to vector<4096x16xf32>
    %max3A_11 = arith.maximumf %add3A_9, %max3A_10 : vector<4096x16xf32>
    %logistic3A = arith.negf %max3A_11 : vector<4096x16xf32>
    %logistic3A_12 = math.exp %logistic3A : vector<4096x16xf32>
    %logistic3A_13 = arith.constant 1.000000e+00 : f32
    %logistic3A_14 = vector.broadcast %logistic3A_13 : f32 to vector<4096x16xf32>
    %logistic3A_15 = arith.addf %logistic3A_14, %logistic3A_12 : vector<4096x16xf32>
    %logistic3A_16 = arith.divf %logistic3A_14, %logistic3A_15 : vector<4096x16xf32>
    %get3A_17 = arith.constant 0 : index
    %get3A_18 = arith.constant 0 : index
    %get3A_19 = vector.load %arg3[%get3A_17, %get3A_18] : memref<16x1xf32, #tpu.memory_space<vmem>>, vector<16x1xf32>
    %dot_general3A_20 = arith.constant dense<0.000000e+00> : vector<4096x1xf32>
    %dot_general3A_21 = tpu.matmul %logistic3A_16, %get3A_19, %dot_general3A_20 {dimension_numbers = #tpu.dot_dimension_numbers<[1], [0], [0], [1], [0, 0, 1, 1], [], []>, transpose_lhs_hint = false} : vector<4096x16xf32>, vector<16x1xf32>, vector<4096x1xf32> -> vector<4096x1xf32>
    %get3A_22 = arith.constant 0 : index
    %get3A_23 = arith.constant 0 : index
    %get3A_24 = vector.load %arg4[%get3A_22, %get3A_23] : memref<1x1xf32, #tpu.memory_space<vmem>>, vector<1x1xf32>
    %add3A_25 = vector.broadcast %get3A_24 : vector<1x1xf32> to vector<4096x1xf32>
    %add3A_26 = arith.addf %dot_general3A_21, %add3A_25 : vector<4096x1xf32>
    %logistic3A_27 = arith.negf %add3A_26 : vector<4096x1xf32>
    %logistic3A_28 = math.exp %logistic3A_27 : vector<4096x1xf32>
    %logistic3A_29 = arith.constant 1.000000e+00 : f32
    %logistic3A_30 = vector.broadcast %logistic3A_29 : f32 to vector<4096x1xf32>
    %logistic3A_31 = arith.addf %logistic3A_30, %logistic3A_28 : vector<4096x1xf32>
    %logistic3A_32 = arith.divf %logistic3A_30, %logistic3A_31 : vector<4096x1xf32>
    %swap3A = arith.constant 0 : index
    %swap3A_33 = arith.constant 0 : index
    %swap3A_34 = vector.load %arg5[%swap3A, %swap3A_33] : memref<4096x1xf32, #tpu.memory_space<vmem>>, vector<4096x1xf32>
    tpu.vector_store %arg5[%swap3A, %swap3A_33], %logistic3A_32 {strides = array<i32>} : memref<4096x1xf32, #tpu.memory_space<vmem>>, vector<4096x1xf32>,
    return
  }
}

</mosaic_0001>

<sc_bundles>
// kernel: kernel.4.cloned.1.call-start
scs
__scs_entry_jumppad:
0x0: {  	(pc) =	sbr.rel $0x88, $3  }
0x1: {  	(tag) =	ssettag $0x0;
	lr =	simm.s32 $0x1  }
0x2: {  	[smem:$0x3F9B] =	sst lr;
	_ =	strace $0xD0000000  }
0x3: {  	_ = 	snop  }
0x4: {  	_ = 	snop  }
0x5: {  	_ = 	snop  }
0x6: {  	_ = 	snop  }
0x7: {  	_ = 	snop  }
__scs_overlays_trampoline_lowered:
0x8: {  	[smem:$0x3FAA] =	sst s0  }
0x9: {  	[smem:$0x3FAB] =	sst s1  }
0xa: {  	[smem:$0x3FAC] =	sst s2  }
0xb: {  	[smem:$0x3FAD] =	sst s3  }
0xc: {  	[smem:$0x3FAE] =	sst s4  }
0xd: {  	[smem:$0x3FAF] =	sst s5  }
0xe: {  	[smem:$0x3FB0] =	sst s6  }
0xf: {  	[smem:$0x3FB1] =	sst s7  }
0x10: {  	[smem:$0x3FB2] =	sst s8  }
0x11: {  	[smem:$0x3FB3] =	sst s9;
	s0 =	simm.s32 @!p0 $0x0  }
0x12: {  	s1 =	sld [smem:$0x3F99];
	s0 =	simm.s32 @p0 $0x1  }
0x13: {  	[smem:$0x3FB4] =	sst s0;
	s0 =	simm.s32 @!p1 $0x0  }
0x14: {  	s2 =	sld [smem:$0x3F98];
	s0 =	simm.s32 @p1 $0x1  }
0x15: {  	[smem:$0x3FB5] =	sst s0;
	s0 =	simm.s32 @!p2 $0x0  }
0x16: {  	s3 =	sld [smem:$0x3FDB];
	s0 =	simm.s32 @p2 $0x1  }
0x17: {  	s4 =	simm.s32 $0x1BF5;
	[smem:$0x3FB7] =	sst s0  }
0x18: {  	s0 =	sld [smem:$0x3F9A];
	_ =	swait.ge [sflag:s4], $0x0  }
0x19: {  	s7 =	sld [smem:$0x3F9B]  }
0x1a: {  	s8 =	sadd.s32 $0xFFFFE003, lr  }
0x1b: {  	s9 =	sadd.s32 $0xFFFFFEF7, lr;
	s5 =	simm.s32 $0xFFFFFFFF;
	p2 =	slt.u32 s8, $0xFFFFF086  }
0x1c: {  	p1 =	slt.u32 s9, $0xF7A;
	s5 =	simm.s32 @!p2 $0x0  }
0x1d: {  	s5 =	simm.s32 @p1 $0x1;
	p0 =	seq.s32 s7, s2  }
0x1e: {  	s7 =	smul.u32 @!p0 $0xF7A, s2;
	p2 =	seq.s32 @!p0 s5, $0x0  }
0x1f: {  	s9 =	smul.u32 $0xF7A, s1;
	s8 =	simm.s32 @!p0 $0x1BF5;
	p2 =	por !p2, p0  }
0x20: {  	[sflag:s8] =	ssyncset.s32 @!p0 $0xFFFFF086;
	s6 =	sadd.s32 @!p0 s3, s7;
	s7 =	simm.s32 @!p0 $0x108  }
0x21: {  	s3 =	sadd.s32 s3, s9;
	s6 =	sadd.s32 @!p0 $0x88, s6;
	s7 =	simm.s32 @p2 $0x1082  }
0x22: {  	[simem:s7], [sflag:s8] =	dma.local @!p0 [hbm:s6], $0xF7A  }
0x23: {  	s9 =	sor.u32 $0xD0000000, s2;
	s6 =	simm.s32 $0x108;
	_ =	swait.ge @!p0 [sflag:s8], $0x0  }
0x24: {  	s3 =	sadd.s32 $0x88, s3;
	s6 =	simm.s32 @!p1 $0x1082;
	[sflag:s4] =	ssyncset.s32 $0xFFFFF086  }
0x25: {  	[simem:s6], [sflag:s4] =	dma.local [hbm:s3], $0xF7A  }
0x26: {  	[smem:$0x3F9B] =	sst s1;
	(tag) =	ssettag s2;
	_ =	strace s9  }
0x27: {  	s1 =	sld [smem:$0x3FAB]  }
0x28: {  	s2 =	sld [smem:$0x3FAC]  }
0x29: {  	s4 =	sld [smem:$0x3FAE]  }
0x2a: {  	p0 =	seq.s32 s5, $0x0;
	s5 =	sld [smem:$0x3FAF]  }
0x2b: {  	s6 =	sld [smem:$0x3FB0]  }
0x2c: {  	s7 =	sld [smem:$0x3FB1]  }
0x2d: {  	s3 =	simm.s32 $0x108;
	s8 =	sld [smem:$0x3FB2]  }
0x2e: {  	s3 =	simm.s32 @!p0 $0x1082;
	s9 =	sld [smem:$0x3FB3]  }
0x2f: {  	lr =	sadd.s32 s0, s3;
	s0 =	sld [smem:$0x3FAA]  }
0x30: {  	s3 =	sld [smem:$0x3FAD]  }
0x31: {  	[smem:$0x3FB6] =	sst s10  }
0x32: {  	s10 =	sld [smem:$0x3FB4];
	_ =	sdelay $0x3  }
0x33: {  	p0 =	seq.s32 s10, $0x1;
	s10 =	sld [smem:$0x3FB6];
	_ =	sdelay $0x3  }
0x34: {  	[smem:$0x3FB6] =	sst s10  }
0x35: {  	s10 =	sld [smem:$0x3FB5];
	_ =	sdelay $0x3  }
0x36: {  	p1 =	seq.s32 s10, $0x1;
	s10 =	sld [smem:$0x3FB6];
	_ =	sdelay $0x3  }
0x37: {  	[smem:$0x3FB6] =	sst s10  }
0x38: {  	s10 =	sld [smem:$0x3FB7]  }
0x39: {  	_ = 	snop;
	(pc) =	sbr.ind lr, $3  }
0x3a: {  	_ = 	snop  }
0x3b: {  	_ = 	snop  }
0x3c: {  	p2 =	seq.s32 s10, $0x1;
	s10 =	sld [smem:$0x3FB6]  }
0x3d: {  	_ =	shalt  }
0x3e: {  	_ =	shalt  }
0x3f: {  	_ =	shalt  }
0x40: {  	_ =	shalt  }
0x41: {  	_ =	shalt  }
0x42: {  	_ =	shalt  }
0x43: {  	_ =	shalt  }
0x44: {  	_ =	shalt  }
0x45: {  	_ =	shalt  }
0x46: {  	_ =	shalt  }
0x47: {  	_ =	shalt  }
0x48: {  	_ =	shalt  }
0x49: {  	_ =	shalt  }
0x4a: {  	_ =	shalt  }
0x4b: {  	_ =	shalt  }
0x4c: {  	_ =	shalt  }
0x4d: {  	_ =	shalt  }
0x4e: {  	_ =	shalt  }
0x4f: {  	_ =	shalt  }
0x50: {  	_ =	shalt  }
0x51: {  	_ =	shalt  }
0x52: {  	_ =	shalt  }
0x53: {  	_ =	shalt  }
0x54: {  	_ =	shalt  }
0x55: {  	_ =	shalt  }
0x56: {  	_ =	shalt  }
0x57: {  	_ =	shalt  }
0x58: {  	_ =	shalt  }
0x59: {  	_ =	shalt  }
0x5a: {  	_ =	shalt  }
0x5b: {  	_ =	shalt  }
0x5c: {  	_ =	shalt  }
0x5d: {  	_ =	shalt  }
0x5e: {  	_ =	shalt  }
0x5f: {  	_ =	shalt  }
0x60: {  	_ =	shalt  }
0x61: {  	_ =	shalt  }
0x62: {  	_ =	shalt  }
0x63: {  	_ =	shalt  }
0x64: {  	_ =	shalt  }
0x65: {  	_ =	shalt  }
0x66: {  	_ =	shalt  }
0x67: {  	_ =	shalt  }
0x68: {  	_ =	shalt  }
0x69: {  	_ =	shalt  }
0x6a: {  	_ =	shalt  }
0x6b: {  	_ =	shalt  }
0x6c: {  	_ =	shalt  }
0x6d: {  	_ =	shalt  }
0x6e: {  	_ =	shalt  }
0x6f: {  	_ =	shalt  }
0x70: {  	_ =	shalt  }
0x71: {  	_ =	shalt  }
0x72: {  	_ =	shalt  }
0x73: {  	_ =	shalt  }
0x74: {  	_ =	shalt  }
0x75: {  	_ =	shalt  }
0x76: {  	_ =	shalt  }
0x77: {  	_ =	shalt  }
0x78: {  	_ =	shalt  }
0x79: {  	_ =	shalt  }
0x7a: {  	_ =	shalt  }
0x7b: {  	_ =	shalt  }
0x7c: {  	_ =	shalt  }
0x7d: {  	_ =	shalt  }
0x7e: {  	_ =	shalt  }
0x7f: {  	_ =	shalt  }
0x80: {  	_ =	shalt  }
0x81: {  	_ =	shalt  }
0x82: {  	_ =	shalt  }
0x83: {  	_ =	shalt  }
0x84: {  	_ =	shalt  }
0x85: {  	_ =	shalt  }
0x86: {  	_ =	shalt  }
0x87: {  	_ =	shalt  }
.Lfunc_end0:
.L_simem_size_0:
called_computation_lowered:
.L_overlay_start_0:
0x88: {  	s2 =	sld [smem:$0x3FD9]  }
0x89: {  	s3 =	sld [smem:$0x3FFE];
	_ =	sdelay $0x1  }
0x8a: {  	s1 =	srdreg.scid  }
0x8b: {  	s0 =	sand.u32 $0x1, s1  }
0x8c: {  	s16 =	sshll.u32 s0, $0xA;
	s2 =	sadd.s32 s3, s2  }
0x8d: {  	s2 =	sadd.s32 s2, s16  }
0x8e: {  	[smem:$0x3FC2] =	sst s2  }
0x8f: {  	_ = 	snop  }
0x90: {  	(tm) =	ssettm $0x1  }
0x91: {  	s17 =	sld [smem:$0x3FFB];
	_ =	sdelay $0x3  }
0x92: {  	_ =	strace s17  }
0x93: {  	s2 =	sld [smem:$0x3FFC];
	_ =	sdelay $0x3  }
0x94: {  	_ =	strace s2  }
0x95: {  	s2 =	sld [smem:$0x3FFD];
	_ =	sdelay $0x3  }
0x96: {  	_ =	strace s2  }
0x97: {  	_ =	strace $0x8FFFFFFF  }
0x98: {  	s18 =	sld [smem:$0x3FDB];
	_ =	sdelay $0x1  }
0x99: {  	s19 =	simm.s32 $_scs_section_size  }
0x9a: {  	s4 =	simm.s32 $_size__tile_overlayer_lowered;
	s5 =	simm.s32 $_tile_overlayer_lowered  }
0x9b: {  	s22 =	simm.s32 $0x1BFF;
	s21 =	sshll.u32 s5, $0x1;
	s2 =	sadd.s32 s19, s18  }
0x9c: {  	s6 =	simm.s32 $0x0;
	s20 =	sshll.u32 s4, $0x1;
	s4 =	sadd.s32 s21, s2  }
0x9d: {  	[timem:s6], [sflag:s22] =	dma.local [hbm:s4], s20  }
0x9e: {  	_ =	swait.ge [sflag:s22], s20  }
0x9f: {  	s3 =	ssub.s32 $0x0, s20;
	[sflag:s22] =	ssyncset.done $0x0  }
0xa0: {  	[sflag:s22] =	ssyncadd.s32 s3;
	_ =	sdelay $0x1  }
0xa1: {  	s23 =	simm.s32 $0x1B8B  }
0xa2: {  	_ =	swait.ge [sflag:s23], $0x1  }
0xa3: {  	[sflag:s23] =	ssyncset.done $0x0  }
0xa4: {  	s25 =	simm.s32 $0x1B8E;
	s24 =	sld [smem:$0x3FFE];
	[sflag:s23] =	ssyncadd.s32 $0xFFFFFFFF  }
0xa5: {  	s26 =	simm.s32 $execute0_lowered;
	[smem:$0x3FD2] =	sst s25  }
0xa6: {  	s4 =	sshll.u32 s26, $0x1;
	_ =	strace $0x80000046;
	[dreg:$0x1] =	wrdreg $0xFFFFFFFF  }
0xa7: {  	s28 =	simm.s32 $_size_execute0_lowered;
	s2 =	sadd.s32 s2, s4;
	[dreg:$0x0] =	wrdreg $0x0  }
0xa8: {  	s4 =	sshll.u32 s28, $0x1;
	[dreg:$0x2] =	wrdreg s2  }
0xa9: {  	[dreg:$0x3] =	wrdreg s4  }
0xaa: {  	[dreg:$0x4] =	wrdreg $0xC0  }
0xab: {  	_ =	task [dreg:s6], $0x5FFFF  }
0xac: {  	[dreg:$0x1] =	wrdreg $0xFFFFFFFF  }
0xad: {  	[dreg:$0x0] =	wrdreg $0x60  }
0xae: {  	[dreg:$0x2] =	wrdreg s24  }
0xaf: {  	[dreg:$0x3] =	wrdreg $0x9  }
0xb0: {  	_ =	task.clear_ibuf [dreg:s6], $0x4FFFF;
	_ =	strace $0x90000046  }
0xb1: {  	s29 =	simm.s32 $0x9;
	_ =	strace $0x80000048  }
0xb2: {  	_ =	swait.ge [sflag:s29], $0x1  }
0xb3: {  	[sflag:s29] =	ssyncadd.s32 $0xFFFFFFFF  }
0xb4: {  	_ =	strace $0x90000048  }
0xb5: {  	_ =	sfence  }
0xb6: {  	s30 =	sld [smem:$0x0];
	_ =	sdelay $0x2  }
0xb7: {  	s31 =	sshll.u32 s1, $0xD;
	s1 =	sshrl.u32 s1, $0x2  }
0xb8: {  	s3 =	sand.u32 $0x4000, s31;
	s1 =	sadd.s32 s1, s30  }
0xb9: {  	s0 =	sor.u32 s3, s0;
	s1 =	sshll.u32 s1, $0x11  }
0xba: {  	s0 =	sor.u32 s1, s0  }
0xbb: {  	s0 =	sadd.s32 $0x8F2B, s0  }
0xbc: {  	[sflag:s0] =	ssyncadd.remote.s32 $0x1  }
0xbd: {  	_ =	sfence.sel $0xFFFF  }
0xbe: {  	[dreg:$0x0] =	wrdreg $0xFFFFFFFF;
	(pc) =	sbr.abs _section_cstart, $3  }
0xbf: {  	[dreg:$0x1] =	wrdreg $0xFFFFFFFF  }
0xc0: {  	_ =	task.clear_ibuf [dreg:s6], $0x2FFFF;
	_ =	strace $0x9FFFFFFF  }
0xc1: {  	(tm) =	ssettm $0x7FFFFFFF  }
tec
execute0_lowered:
.L_overlay_start_1:
0x0: {  	(tag) =	ssettag $0x1  }
0x1: {  	s0 =	srdreg.scid;
	s2 =	stileid.u32  }
0x2: {  	s1 =	rddreg [dreg:$0x0];
	s7 =	simm.s32 $0x9;
	s8 =	simm.s32 $0x68  }
0x3: {  	s10 =	simm.s32 $0x60;
	s17 =	simm.s32 $0xC800;
	s18 =	simm.s32 $0x1F8  }
0x4: {  	s19 =	simm.s32 $0xE200;
	s20 =	simm.s32 $0x258;
	s21 =	simm.s32 $0xFA00  }
0x5: {  	s22 =	simm.s32 $0x2C0;
	s23 =	simm.s32 $0x11400;
	s24 =	simm.s32 $0x1  }
0x6: {  	s25 =	simm.s32 $0x2;
	s26 =	simm.s32 $0x3;
	s28 =	simm.s32 $0x4  }
0x7: {  	s29 =	simm.s32 $0x5;
	s30 =	simm.s32 $0x6;
	s31 =	simm.s32 $0x7  }
0x8: {  	s9 =	simm.s32 $0x0;
	s0 =	sand.u32 $0x1, s0;
	s3 =	sshll.u32 s2, $0x8  }
0x9: {  	s2 =	simm.s32 $0x0;
	s4 =	sshll.u32 s0, $0x7;
	s0 =	ssub.s32 $0x2, s0  }
0xa: {  	[smem:$0x7FF] =	sst s2;
	s3 =	sor.u32 s4, s3;
	s6 =	sshrl.u32 s0, $0x1  }
0xb: {  	_ =	strace $0x80000047;
	s4 =	smul.u32 $0x19, s3;
	s0 =	ssub.s32 s0, s6  }
0xc: {  	s5 =	sshll.u32 s3, $0x3;
	s3 =	sadd.s32 $0x59DA00, s1;
	s6 =	smax.u32 s0, $0x1  }
0xd: {  	s0 =	simm.s32 $0x12C00;
	s4 =	sadd.s32 s4, s1;
	s1 =	sadd.s32 s5, s1  }
0xe: {  	s4 =	sadd.s32 $0xC00, s4;
	s5 =	sadd.s32 $0x19C00, s1;
	s1 =	simm.s32 $0x8  }
.LBB2_1:
0xf: {  	[tilespmem:s2], [sflag:$0x9] =	stream.linear.gather [hbm4b:s4+s2], $0x6400, $0x38;
	[tilespmem:$0x14C00] =	vst v63  }
0x10: {  	_ =	swait.ge [sflag:s7], $0x6400  }
0x11: {  	[sflag:s7] =	ssyncset.done $0x0  }
0x12: {  	s11 =	simm.s32 $0x6400;
	[sflag:s7] =	ssyncadd.s32 $0xFFFF9C00  }
0x13: {  	[tilespmem:s11], [sflag:$0x1] =	stream.indirect.gather [hbm4b:s3+s8], $0x40, s2, s8, $0xb8;
	[tilespmem:$0x14C00] =	vst v63  }
0x14: {  	s12 =	simm.s32 $0x7E00  }
0x15: {  	[tilespmem:s12], [sflag:$0x2] =	stream.indirect.gather [hbm4b:s3+s10], $0x40, s8, s10, $0xb8;
	[tilespmem:$0x14C00] =	vst v63  }
0x16: {  	s13 =	simm.s32 $0xC8;
	s12 =	simm.s32 $0x9600  }
0x17: {  	[tilespmem:s12], [sflag:$0x3] =	stream.indirect.gather [hbm4b:s3+s8], $0x40, s13, s8, $0xb8;
	[tilespmem:$0x14C00] =	vst v63  }
0x18: {  	s14 =	simm.s32 $0x130;
	s15 =	simm.s32 $0xB000  }
0x19: {  	[tilespmem:s15], [sflag:$0x4] =	stream.indirect.gather [hbm4b:s3+s10], $0x40, s14, s10, $0xb8;
	[tilespmem:$0x14C00] =	vst v63  }
0x1a: {  	s16 =	simm.s32 $0x190  }
0x1b: {  	[tilespmem:s17], [sflag:$0x5] =	stream.indirect.gather [hbm4b:s3+s8], $0x40, s16, s8, $0xb8;
	[tilespmem:$0x14C00] =	vst v63  }
0x1c: {  	_ = 	snop  }
0x1d: {  	[tilespmem:s19], [sflag:$0x6] =	stream.indirect.gather [hbm4b:s3+s10], $0x40, s18, s10, $0xb8;
	[tilespmem:$0x14C00] =	vst v63  }
0x1e: {  	_ = 	snop  }
0x1f: {  	[tilespmem:s21], [sflag:$0x7] =	stream.indirect.gather [hbm4b:s3+s8], $0x40, s20, s8, $0xb8;
	[tilespmem:$0x14C00] =	vst v63  }
0x20: {  	s11 =	simm.s32 $0x0  }
0x21: {  	[tilespmem:s23], [sflag:$0x8] =	stream.indirect.gather [hbm4b:s3+s10], $0x40, s22, s10, $0xb8;
	[tilespmem:$0x14C00] =	vst v63  }
.LBB2_2:
0x22: {  	_ =	swait.ge [sflag:s24], $0x1A00  }
0x23: {  	[sflag:s24] =	ssyncset.done $0x0  }
0x24: {  	s13 =	simm.s32 $0x0;
	[sflag:s24] =	ssyncadd.s32 $0xFFFFE600  }
0x25: {  	v1 =	vld [tilespmem:s13+$0x6430]  }
0x26: {  	v2 =	vld [tilespmem:s13+$0x6400]  }
0x27: {  	v0 =	vimm.f32 $0.0e+00;
	v3 =	vld [tilespmem:s13+$0x6410]  }
0x28: {  	s12 =	simm.s32 $0x100;
	v7 =	vimm.f32 $0.0e+00;
	v5 =	vimm.f32 $0.0e+00;
	v6 =	vimm.f32 $0.0e+00;
	v4 =	vld [tilespmem:s13+$0x6420]  }
.LBB2_3:
0x29: {  	p0 =	sne.s32 s12, $0x6700  }
.Ltmp0:
0x2a: {  	s13 =	sshra.s32 s12, $0x2;
	s12 =	sadd.s32 $0x100, s12;
	v0 =	vadd.f32 v1, v0;
	(pc) =	sbr.rel @p0 .LBB2_3-.Ltmp0, $4  }
0x2b: {  	v1 =	vld [tilespmem:s13+$0x6430];
	v7 =	vadd.f32 v2, v7  }
0x2c: {  	v2 =	vld [tilespmem:s13+$0x6400];
	v5 =	vadd.f32 v3, v5  }
0x2d: {  	v3 =	vld [tilespmem:s13+$0x6410];
	v6 =	vadd.f32 v4, v6  }
0x2e: {  	v4 =	vld [tilespmem:s13+$0x6420]  }
0x2f: {  	s13 =	sshll.u32 s11, $0x2  }
0x30: {  	p0 =	seq.s32 s11, $0x1F;
	s12 =	sadd.s32 $0x4, s13  }
0x31: {  	s12 =	smul.u32 @!p0 $0x320, s12;
	_ =	sdelay $0x1  }
0x32: {  	s14 =	simm.s32 @!p0 $0x68;
	s15 =	simm.s32 @!p0 $0x6400;
	s12 =	sshra.s32 @!p0 s12, $0x2  }
0x33: {  	[tilespmem:s15], [sflag:$0x1] =	stream.indirect.gather @!p0 [hbm4b:s3+s14], $0x40, s12, s14, $0xb8;
	[tilespmem:$0x14C00] =	vst v63  }
0x34: {  	_ =	swait.ge [sflag:s25], $0x1800  }
0x35: {  	[sflag:s25] =	ssyncset.done $0x0  }
0x36: {  	s16 =	simm.s32 $0x0;
	[sflag:s25] =	ssyncadd.s32 $0xFFFFE800  }
0x37: {  	v8 =	vld [tilespmem:s16+$0x7E30]  }
0x38: {  	v10 =	vld [tilespmem:s16+$0x7E00]  }
0x39: {  	v0 =	vadd.f32 v1, v0;
	v9 =	vadd.f32 v2, v7;
	v7 =	vld [tilespmem:s16+$0x7E10]  }
0x3a: {  	v2 =	vadd.f32 v3, v5;
	v1 =	vadd.f32 v4, v6;
	s14 =	simm.s32 $0x100;
	v3 =	vld [tilespmem:s16+$0x7E20]  }
.LBB2_5:
0x3b: {  	p1 =	sne.s32 s14, $0x5F00  }
.Ltmp1:
0x3c: {  	s15 =	sshra.s32 s14, $0x2;
	s14 =	sadd.s32 $0x100, s14;
	v0 =	vadd.f32 v8, v0;
	(pc) =	sbr.rel @p1 .LBB2_5-.Ltmp1, $4  }
0x3d: {  	v8 =	vld [tilespmem:s15+$0x7E30];
	v9 =	vadd.f32 v10, v9  }
0x3e: {  	v10 =	vld [tilespmem:s15+$0x7E00];
	v2 =	vadd.f32 v7, v2  }
0x3f: {  	v7 =	vld [tilespmem:s15+$0x7E10];
	v1 =	vadd.f32 v3, v1  }
0x40: {  	v3 =	vld [tilespmem:s15+$0x7E20]  }
0x41: {  	_ = 	snop  }
0x42: {  	s12 =	sadd.s32 @!p0 $0x68, s12;
	s14 =	simm.s32 @!p0 $0x60;
	s15 =	simm.s32 @!p0 $0x7E00;
	v0 =	vadd.f32 v8, v0  }
0x43: {  	[tilespmem:s15], [sflag:$0x2] =	stream.indirect.gather @!p0 [hbm4b:s3+s14], $0x40, s12, s14, $0xb8;
	v4 =	vadd.f32 v10, v9;
	[tilespmem:$0x14C00] =	vst v63  }
0x44: {  	s15 =	sshll.u32 s11, $0x8;
	v2 =	vadd.f32 v7, v2;
	v0 =	vmul.f32 $4.999999890e-03, v0  }
0x45: {  	s12 =	sand.u32 $0x3FFFFF00, s15;
	v1 =	vadd.f32 v3, v1;
	v3 =	vmul.f32 $4.999999890e-03, v4  }
0x46: {  	v2 =	vmul.f32 $4.999999890e-03, v2;
	[tilespmem:s12+$0x12C30] =	vst v0  }
0x47: {  	[tilespmem:s12+$0x12C00] =	vst v3;
	v1 =	vmul.f32 $4.999999890e-03, v1  }
0x48: {  	[tilespmem:s12+$0x12C10] =	vst v2  }
0x49: {  	[tilespmem:s12+$0x12C20] =	vst v1  }
0x4a: {  	_ =	swait.ge [sflag:s26], $0x1A00  }
0x4b: {  	[sflag:s26] =	ssyncset.done $0x0  }
0x4c: {  	s16 =	simm.s32 $0x0;
	[sflag:s26] =	ssyncadd.s32 $0xFFFFE600  }
0x4d: {  	v1 =	vld [tilespmem:s16+$0x9630]  }
0x4e: {  	v2 =	vld [tilespmem:s16+$0x9600]  }
0x4f: {  	v5 =	vimm.f32 $0.0e+00;
	v3 =	vld [tilespmem:s16+$0x9610]  }
0x50: {  	v6 =	vimm.f32 $0.0e+00;
	s14 =	simm.s32 $0x100;
	v7 =	vimm.f32 $0.0e+00;
	v0 =	vimm.f32 $0.0e+00;
	v4 =	vld [tilespmem:s16+$0x9620]  }
.LBB2_7:
0x51: {  	p1 =	sne.s32 s14, $0x6700  }
.Ltmp2:
0x52: {  	s15 =	sshra.s32 s14, $0x2;
	s14 =	sadd.s32 $0x100, s14;
	v0 =	vadd.f32 v1, v0;
	(pc) =	sbr.rel @p1 .LBB2_7-.Ltmp2, $4  }
0x53: {  	v1 =	vld [tilespmem:s15+$0x9630];
	v7 =	vadd.f32 v2, v7  }
0x54: {  	v2 =	vld [tilespmem:s15+$0x9600];
	v5 =	vadd.f32 v3, v5  }
0x55: {  	v3 =	vld [tilespmem:s15+$0x9610];
	v6 =	vadd.f32 v4, v6  }
0x56: {  	v4 =	vld [tilespmem:s15+$0x9620]  }
0x57: {  	s14 =	sadd.s32 $0x5, s13  }
0x58: {  	s14 =	smul.u32 @!p0 $0x320, s14;
	_ =	sdelay $0x1  }
0x59: {  	s15 =	simm.s32 @!p0 $0x68;
	s16 =	simm.s32 @!p0 $0x9600;
	s14 =	sshra.s32 @!p0 s14, $0x2  }
0x5a: {  	[tilespmem:s16], [sflag:$0x3] =	stream.indirect.gather @!p0 [hbm4b:s3+s15], $0x40, s14, s15, $0xb8;
	[tilespmem:$0x14C00] =	vst v63  }
0x5b: {  	_ =	swait.ge [sflag:s28], $0x1800  }
0x5c: {  	[sflag:s28] =	ssyncset.done $0x0  }
0x5d: {  	s16 =	simm.s32 $0x0;
	[sflag:s28] =	ssyncadd.s32 $0xFFFFE800  }
0x5e: {  	v8 =	vld [tilespmem:s16+$0xB030]  }
0x5f: {  	v9 =	vld [tilespmem:s16+$0xB000]  }
0x60: {  	v0 =	vadd.f32 v1, v0;
	v1 =	vadd.f32 v2, v7;
	v7 =	vld [tilespmem:s16+$0xB010]  }
0x61: {  	v2 =	vadd.f32 v3, v5;
	v3 =	vadd.f32 v4, v6;
	s15 =	simm.s32 $0x100;
	v4 =	vld [tilespmem:s16+$0xB020]  }
.LBB2_9:
0x62: {  	p1 =	sne.s32 s15, $0x5F00  }
.Ltmp3:
0x63: {  	s16 =	sshra.s32 s15, $0x2;
	s15 =	sadd.s32 $0x100, s15;
	v0 =	vadd.f32 v8, v0;
	(pc) =	sbr.rel @p1 .LBB2_9-.Ltmp3, $4  }
0x64: {  	v8 =	vld [tilespmem:s16+$0xB030];
	v1 =	vadd.f32 v9, v1  }
0x65: {  	v9 =	vld [tilespmem:s16+$0xB000];
	v2 =	vadd.f32 v7, v2  }
0x66: {  	v7 =	vld [tilespmem:s16+$0xB010];
	v3 =	vadd.f32 v4, v3  }
0x67: {  	v4 =	vld [tilespmem:s16+$0xB020]  }
0x68: {  	_ = 	snop  }
0x69: {  	v0 =	vadd.f32 v8, v0  }
0x6a: {  	v1 =	vadd.f32 v9, v1  }
0x6b: {  	s14 =	sadd.s32 @!p0 $0x68, s14;
	s15 =	simm.s32 @!p0 $0x60;
	s16 =	simm.s32 @!p0 $0xB000;
	v2 =	vadd.f32 v7, v2;
	v0 =	vmul.f32 $4.999999890e-03, v0  }
0x6c: {  	[tilespmem:s16], [sflag:$0x4] =	stream.indirect.gather @!p0 [hbm4b:s3+s15], $0x40, s14, s15, $0xb8;
	v3 =	vadd.f32 v4, v3;
	v1 =	vmul.f32 $4.999999890e-03, v1;
	[tilespmem:$0x14C00] =	vst v63  }
0x6d: {  	v2 =	vmul.f32 $4.999999890e-03, v2;
	[tilespmem:s12+$0x12C70] =	vst v0  }
0x6e: {  	[tilespmem:s12+$0x12C40] =	vst v1;
	v1 =	vmul.f32 $4.999999890e-03, v3  }
0x6f: {  	[tilespmem:s12+$0x12C50] =	vst v2  }
0x70: {  	[tilespmem:s12+$0x12C60] =	vst v1  }
0x71: {  	_ =	swait.ge [sflag:s29], $0x1A00  }
0x72: {  	[sflag:s29] =	ssyncset.done $0x0  }
0x73: {  	s16 =	simm.s32 $0x0;
	[sflag:s29] =	ssyncadd.s32 $0xFFFFE600  }
0x74: {  	v1 =	vld [tilespmem:s16+$0xC830]  }
0x75: {  	v2 =	vld [tilespmem:s16+$0xC800]  }
0x76: {  	v5 =	vimm.f32 $0.0e+00;
	v3 =	vld [tilespmem:s16+$0xC810]  }
0x77: {  	v6 =	vimm.f32 $0.0e+00;
	s14 =	simm.s32 $0x100;
	v7 =	vimm.f32 $0.0e+00;
	v0 =	vimm.f32 $0.0e+00;
	v4 =	vld [tilespmem:s16+$0xC820]  }
.LBB2_11:
0x78: {  	p1 =	sne.s32 s14, $0x6700  }
.Ltmp4:
0x79: {  	s15 =	sshra.s32 s14, $0x2;
	s14 =	sadd.s32 $0x100, s14;
	v0 =	vadd.f32 v1, v0;
	(pc) =	sbr.rel @p1 .LBB2_11-.Ltmp4, $4  }
0x7a: {  	v1 =	vld [tilespmem:s15+$0xC830];
	v7 =	vadd.f32 v2, v7  }
0x7b: {  	v2 =	vld [tilespmem:s15+$0xC800];
	v5 =	vadd.f32 v3, v5  }
0x7c: {  	v3 =	vld [tilespmem:s15+$0xC810];
	v6 =	vadd.f32 v4, v6  }
0x7d: {  	v4 =	vld [tilespmem:s15+$0xC820]  }
0x7e: {  	s14 =	sadd.s32 $0x6, s13  }
0x7f: {  	s14 =	smul.u32 @!p0 $0x320, s14;
	_ =	sdelay $0x1  }
0x80: {  	s15 =	simm.s32 @!p0 $0x68;
	s16 =	simm.s32 @!p0 $0xC800;
	s14 =	sshra.s32 @!p0 s14, $0x2  }
0x81: {  	[tilespmem:s16], [sflag:$0x5] =	stream.indirect.gather @!p0 [hbm4b:s3+s15], $0x40, s14, s15, $0xb8;
	[tilespmem:$0x14C00] =	vst v63  }
0x82: {  	_ =	swait.ge [sflag:s30], $0x1800  }
0x83: {  	[sflag:s30] =	ssyncset.done $0x0  }
0x84: {  	s16 =	simm.s32 $0x0;
	[sflag:s30] =	ssyncadd.s32 $0xFFFFE800  }
0x85: {  	v8 =	vld [tilespmem:s16+$0xE230]  }
0x86: {  	v9 =	vld [tilespmem:s16+$0xE200]  }
0x87: {  	v0 =	vadd.f32 v1, v0;
	v1 =	vadd.f32 v2, v7;
	v7 =	vld [tilespmem:s16+$0xE210]  }
0x88: {  	v2 =	vadd.f32 v3, v5;
	v3 =	vadd.f32 v4, v6;
	s15 =	simm.s32 $0x100;
	v4 =	vld [tilespmem:s16+$0xE220]  }
.LBB2_13:
0x89: {  	p1 =	sne.s32 s15, $0x5F00  }
.Ltmp5:
0x8a: {  	s16 =	sshra.s32 s15, $0x2;
	s15 =	sadd.s32 $0x100, s15;
	v0 =	vadd.f32 v8, v0;
	(pc) =	sbr.rel @p1 .LBB2_13-.Ltmp5, $4  }
0x8b: {  	v8 =	vld [tilespmem:s16+$0xE230];
	v1 =	vadd.f32 v9, v1  }
0x8c: {  	v9 =	vld [tilespmem:s16+$0xE200];
	v2 =	vadd.f32 v7, v2  }
0x8d: {  	v7 =	vld [tilespmem:s16+$0xE210];
	v3 =	vadd.f32 v4, v3  }
0x8e: {  	v4 =	vld [tilespmem:s16+$0xE220]  }
0x8f: {  	_ = 	snop  }
0x90: {  	v0 =	vadd.f32 v8, v0  }
0x91: {  	v1 =	vadd.f32 v9, v1  }
0x92: {  	s14 =	sadd.s32 @!p0 $0x68, s14;
	s15 =	simm.s32 @!p0 $0x60;
	s16 =	simm.s32 @!p0 $0xE200;
	v2 =	vadd.f32 v7, v2;
	v0 =	vmul.f32 $4.999999890e-03, v0  }
0x93: {  	[tilespmem:s16], [sflag:$0x6] =	stream.indirect.gather @!p0 [hbm4b:s3+s15], $0x40, s14, s15, $0xb8;
	v3 =	vadd.f32 v4, v3;
	v1 =	vmul.f32 $4.999999890e-03, v1;
	[tilespmem:$0x14C00] =	vst v63  }
0x94: {  	v2 =	vmul.f32 $4.999999890e-03, v2;
	[tilespmem:s12+$0x12CB0] =	vst v0  }
0x95: {  	[tilespmem:s12+$0x12C80] =	vst v1;
	v1 =	vmul.f32 $4.999999890e-03, v3  }
0x96: {  	[tilespmem:s12+$0x12C90] =	vst v2  }
0x97: {  	[tilespmem:s12+$0x12CA0] =	vst v1  }
0x98: {  	_ =	swait.ge [sflag:s31], $0x1A00  }
0x99: {  	[sflag:s31] =	ssyncset.done $0x0  }
0x9a: {  	s16 =	simm.s32 $0x0;
	[sflag:s31] =	ssyncadd.s32 $0xFFFFE600  }
0x9b: {  	v1 =	vld [tilespmem:s16+$0xFA30]  }
0x9c: {  	v2 =	vld [tilespmem:s16+$0xFA00]  }
0x9d: {  	v5 =	vimm.f32 $0.0e+00;
	v3 =	vld [tilespmem:s16+$0xFA10]  }
0x9e: {  	v6 =	vimm.f32 $0.0e+00;
	s14 =	simm.s32 $0x100;
	v7 =	vimm.f32 $0.0e+00;
	v0 =	vimm.f32 $0.0e+00;
	v4 =	vld [tilespmem:s16+$0xFA20]  }
.LBB2_15:
0x9f: {  	p1 =	sne.s32 s14, $0x6700  }
.Ltmp6:
0xa0: {  	s15 =	sshra.s32 s14, $0x2;
	s14 =	sadd.s32 $0x100, s14;
	v0 =	vadd.f32 v1, v0;
	(pc) =	sbr.rel @p1 .LBB2_15-.Ltmp6, $4  }
0xa1: {  	v1 =	vld [tilespmem:s15+$0xFA30];
	v7 =	vadd.f32 v2, v7  }
0xa2: {  	v2 =	vld [tilespmem:s15+$0xFA00];
	v5 =	vadd.f32 v3, v5  }
0xa3: {  	v3 =	vld [tilespmem:s15+$0xFA10];
	v6 =	vadd.f32 v4, v6  }
0xa4: {  	v4 =	vld [tilespmem:s15+$0xFA20]  }
0xa5: {  	s13 =	sadd.s32 $0x7, s13  }
0xa6: {  	s13 =	smul.u32 @!p0 $0x320, s13;
	_ =	sdelay $0x1  }
0xa7: {  	s14 =	simm.s32 @!p0 $0x68;
	s15 =	simm.s32 @!p0 $0xFA00;
	s13 =	sshra.s32 @!p0 s13, $0x2  }
0xa8: {  	[tilespmem:s15], [sflag:$0x7] =	stream.indirect.gather @!p0 [hbm4b:s3+s14], $0x40, s13, s14, $0xb8;
	[tilespmem:$0x14C00] =	vst v63  }
0xa9: {  	_ =	swait.ge [sflag:s1], $0x1800  }
0xaa: {  	[sflag:s1] =	ssyncset.done $0x0  }
0xab: {  	s16 =	simm.s32 $0x0;
	[sflag:s1] =	ssyncadd.s32 $0xFFFFE800  }
0xac: {  	v8 =	vld [tilespmem:s16+$0x11430]  }
0xad: {  	v9 =	vld [tilespmem:s16+$0x11400]  }
0xae: {  	v0 =	vadd.f32 v1, v0;
	v1 =	vadd.f32 v2, v7;
	v7 =	vld [tilespmem:s16+$0x11410]  }
0xaf: {  	v2 =	vadd.f32 v3, v5;
	v3 =	vadd.f32 v4, v6;
	s14 =	simm.s32 $0x100;
	v4 =	vld [tilespmem:s16+$0x11420]  }
.LBB2_17:
0xb0: {  	p1 =	sne.s32 s14, $0x5F00  }
.Ltmp7:
0xb1: {  	s15 =	sshra.s32 s14, $0x2;
	s14 =	sadd.s32 $0x100, s14;
	v0 =	vadd.f32 v8, v0;
	(pc) =	sbr.rel @p1 .LBB2_17-.Ltmp7, $4  }
0xb2: {  	v8 =	vld [tilespmem:s15+$0x11430];
	v1 =	vadd.f32 v9, v1  }
0xb3: {  	v9 =	vld [tilespmem:s15+$0x11400];
	v2 =	vadd.f32 v7, v2  }
0xb4: {  	v7 =	vld [tilespmem:s15+$0x11410];
	v3 =	vadd.f32 v4, v3  }
0xb5: {  	v4 =	vld [tilespmem:s15+$0x11420]  }
0xb6: {  	s13 =	sadd.s32 @!p0 $0x68, s13  }
0xb7: {  	s14 =	simm.s32 @!p0 $0x60;
	s15 =	simm.s32 @!p0 $0x11400;
	s11 =	sadd.s32 $0x1, s11;
	v0 =	vadd.f32 v8, v0  }
0xb8: {  	[tilespmem:s15], [sflag:$0x8] =	stream.indirect.gather @!p0 [hbm4b:s3+s14], $0x40, s13, s14, $0xb8;
	v1 =	vadd.f32 v9, v1;
	[tilespmem:$0x14C00] =	vst v63  }
0xb9: {  	p0 =	sne.s32 s11, $0x20;
	v2 =	vadd.f32 v7, v2;
	v0 =	vmul.f32 $4.999999890e-03, v0  }
.Ltmp8:
0xba: {  	v3 =	vadd.f32 v4, v3;
	v1 =	vmul.f32 $4.999999890e-03, v1;
	(pc) =	sbr.rel @p0 .LBB2_2-.Ltmp8, $4  }
0xbb: {  	v2 =	vmul.f32 $4.999999890e-03, v2;
	[tilespmem:s12+$0x12CF0] =	vst v0  }
0xbc: {  	[tilespmem:s12+$0x12CC0] =	vst v1;
	v63 =	vmul.f32 $4.999999890e-03, v3  }
0xbd: {  	[tilespmem:s12+$0x12CD0] =	vst v2  }
0xbe: {  	[tilespmem:s12+$0x12CE0] =	vst v63  }
0xbf: {  	s9 =	sadd.s32 $0x1, s9  }
0xc0: {  	p0 =	sne.s32 s9, s6  }
.Ltmp9:
0xc1: {  	_ = 	snop;
	(pc) =	sbr.rel @p0 .LBB2_1-.Ltmp9, $4  }
0xc2: {  	[hbm4b:s5+s2] =	stream.linear.scatter [tilespmem:s0], [sflag:$0x9], $0x2000, $0x38;
	[tilespmem:$0x14C00] =	vst v63  }
0xc3: {  	_ =	swait.ge [sflag:s7], $0x2000  }
0xc4: {  	[sflag:s7] =	ssyncset.done $0x0  }
0xc5: {  	[sflag:s7] =	ssyncadd.s32 $0xFFFFE000  }
0xc6: {  	_ =	sfence.sel $0x180000  }
0xc7: {  	[bflag:$0x0] =	sbarrier.arrive $0xFFFF  }
0xc8: {  	_ =	strace $0x90000047  }
0xc9: {  	s0 =	stileid.u32;
	[bflag:$0x2] =	sbarrier.arrive $0xFFFF  }
0xca: {  	p0 =	sne.s32 s0, $0x0;
	s0 =	rddreg [dreg:$0x1]  }
0xcb: {  	s0 =	sadd.s32 @!p0 $0x100000, s0  }
0xcc: {  	[sflag:s0] =	ssyncadd.tile.s32 @!p0 $0x1;
	_ =	shalt  }
.Lfunc_end2:
_tile_overlayer_lowered:
.L_overlay_start_2:
0xcd: {  	(tag) =	ssettag $0x2  }
0xce: {  	s0 =	rddreg [dreg:$0x0];
	s2 =	stileid.u32  }
0xcf: {  	s1 =	rddreg [dreg:$0x1];
	p0 =	sne.s32 s2, $0x0  }
0xd0: {  	s3 =	rddreg [dreg:$0x2];
	[bflag:$0x3] =	sbarrier.arrive $0xFFFF;
	s2 =	simm.s32 @!p0 $0x1C09  }
0xd1: {  	[timem:s3], [sflag:s2] =	dma.local @!p0 [hbm:s0], s1  }
0xd2: {  	s0 =	simm.s32 @!p0 $0x9  }
0xd3: {  	_ =	swait.ge @!p0 [sflag:s0], s1  }
0xd4: {  	s1 =	ssub.s32 @!p0 $0x0, s1;
	[sflag:s0] =	ssyncset.done @!p0 $0x0  }
0xd5: {  	[sflag:s0] =	ssyncadd.s32 @!p0 s1  }
0xd6: {  	[bflag:$0x3] =	sbarrier.arrive $0xFFFF  }
0xd7: {  	_ =	shalt  }

</sc_bundles>
